<compile_context>
chip_gen: v7x
topology: tpu7x:2x2x1
jax: 0.10.2.dev20260603
libtpu: 0.0.44.dev20260713+nightly
codegen_flags: <defaults>
</compile_context>

<pallas_src>
import functools

import jax
import jax.numpy as jnp
from jax import lax
from jax.experimental import pallas as pl
from jax.experimental.pallas import tpu as pltpu
from jax.experimental.pallas import tpu_sc as plsc

NW = 32
CHUNK = 128
K = 2
NSET = 5


def _gather_kernel(n_chunks, table_hbm, idx_hbm, out_hbm,
                   idx_v, rows_v, gsem, wsem):
    n_groups = n_chunks // K
    wid = lax.axis_index("s") * 2 + lax.axis_index("c")
    base = wid * (n_chunks * CHUNK)
    pltpu.sync_copy(idx_hbm.at[wid], idx_v)

    def gather_copy(g, p, b):
        return pltpu.make_async_copy(
            table_hbm.at[idx_v.at[g * K + b]], rows_v.at[p, b], gsem)

    def write_copy(g, p, b):
        dst = out_hbm.at[pl.ds(base + (g * K + b) * CHUNK, CHUNK)]
        return pltpu.make_async_copy(rows_v.at[p, b], dst, wsem)

    def start_gathers(g, p):
        for b in range(K):
            gather_copy(g, p, b).start()

    start_gathers(0, 0)
    start_gathers(1, 1)

    @pl.loop(0, n_groups, step=NSET)
    def _(g0):
        for p in range(NSET):
            g = g0 + p
            for b in range(K):
                gather_copy(g, p, b).wait()
            for b in range(K):
                write_copy(g, p, b).start()
            pw = (p + 2) % NSET

            @pl.when(g >= 3)
            def _():
                for b in range(K):
                    write_copy(g - 3, pw, b).wait()

            @pl.when(g + 2 < n_groups)
            def _():
                start_gathers(g + 2, pw)

    for g in (n_groups - 3, n_groups - 2, n_groups - 1):
        for b in range(K):
            write_copy(g, g % NSET, b).wait()


def kernel(characters, tokens, table):
    B, L = tokens.shape
    V, D = table.shape
    N = B * L
    n_per_w = N // NW
    n_chunks = n_per_w // CHUNK

    idx = tokens.reshape(NW, n_chunks, CHUNK).astype(jnp.int32)

    mesh = plsc.VectorSubcoreMesh(core_axis_name="c", subcore_axis_name="s")
    run = functools.partial(
        pl.kernel,
        out_type=jax.ShapeDtypeStruct((N, D), jnp.float32),
        mesh=mesh,
        compiler_params=pltpu.CompilerParams(use_tc_tiling_on_sc=False),
        scratch_types=[
            pltpu.VMEM((n_chunks, CHUNK), jnp.int32),
            pltpu.VMEM((NSET, K, CHUNK, D), jnp.float32),
            pltpu.SemaphoreType.DMA,
            pltpu.SemaphoreType.DMA,
        ],
    )(functools.partial(_gather_kernel, n_chunks))

    out = run(table, idx)
    return out.reshape(B, L, D)

# --- scband reference (transcript-rebuilt; emitter-appended) ---
"""Pipeline reference for scband-text-embedder-22497038696560 (READ-ONLY COPY).

The authoritative reference and input builder live on the scoring server;
editing this copy changes nothing except your own understanding.
"""

import jax, jax.numpy as jnp
import numpy as np

VOCAB = 1000000
DIM = 64
B = 4096
L = 200

def setup_inputs(seed: int = 0) -> dict:
    key = jax.random.key(seed)
    k1, k2 = jax.random.split(key)
    tokens = jax.random.randint(k1, (B, L), 0, VOCAB)
    characters = jnp.zeros((1,), dtype=jnp.int32)  # unused dummy (no char_embedder in config)
    table = jax.random.normal(k2, (VOCAB, DIM), dtype=jnp.float32)
    return {"characters": characters, "tokens": tokens, "table": table}

def reference(characters, tokens, table):
    # Config has only 'text_field_embedder' and dropout=0.0 (identity at eval / p=0),
    # so forward reduces to the word embedding lookup; cat of a single tensor is identity.
    word_emb = jnp.take(table, tokens, axis=0)
    return word_emb

if __name__ == "__main__":
    import jax
    _d = setup_inputs()
    print(jax.jit(kernel)(*tuple(_d.values())))

</pallas_src>

<mosaic_0001>
#map = affine_map<(d0, d1) -> (0, 0)>
#map1 = affine_map<(d0, d1) -> (0, 0, 0)>
module attributes {stable_mosaic.version = 14 : i64} {
  func.func @_gather_kernel(%arg0: i32, %arg1: i32, %arg2: memref<1000000x64xf32, #tpu.memory_space<hbm>>, %arg3: memref<32x200x128xi32, #tpu.memory_space<hbm>>, %arg4: memref<819200x64xf32, #tpu.memory_space<hbm>>, %arg5: memref<200x128xi32, #tpu.memory_space<vmem>>, %arg6: memref<5x2x128x64xf32, #tpu.memory_space<vmem>>, %arg7: memref<!tpu.dma_semaphore, #tpu.memory_space<semaphore_mem>>, %arg8: memref<!tpu.dma_semaphore, #tpu.memory_space<semaphore_mem>>) attributes {dimension_semantics = [#tpu.dimension_semantics<core_parallel>, #tpu.dimension_semantics<subcore_parallel>], iteration_bounds = array<i64: 2, 16>, scalar_prefetch = 0 : i64, scratch_operands = 4 : i64, tpu.core_type = #tpu.core_type<sc_vector_subcore>, window_params = [{transform_indices = #map}, {transform_indices = #map1}, {transform_indices = #map}]} {
    %mul3A = arith.constant 2 : i32
    %mul3A_0 = arith.muli %arg1, %mul3A : i32
    %add3A = arith.addi %mul3A_0, %arg0 : i32
    %mul3A_1 = arith.constant 25600 : i32
    %mul3A_2 = arith.muli %add3A, %mul3A_1 : i32
    "tpu.region"() ({
      %run_scoped3A = tpu.sem_alloc : memref<!tpu.dma_semaphore, #tpu.memory_space<semaphore_mem>>
      %dma_start3A_153 = arith.constant 0 : i32
      %dma_start3A_154 = arith.constant 0 : i32
      %dma_start3A_155 = tpu.memref_slice %arg3[%add3A, %dma_start3A_153, %dma_start3A_154] : memref<32x200x128xi32, #tpu.memory_space<hbm>> -> memref<1x200x128xi32, #tpu.memory_space<hbm>>
      %dma_start3A_156 = tpu.memref_squeeze %dma_start3A_155 : memref<1x200x128xi32, #tpu.memory_space<hbm>> -> memref<200x128xi32, #tpu.memory_space<hbm>>
      %dma_start3A_157 = arith.constant 0 : i32
      %dma_start3A_158 = arith.constant 0 : i32
      %dma_start3A_159 = tpu.memref_slice %arg3[%add3A, %dma_start3A_157, %dma_start3A_158] : memref<32x200x128xi32, #tpu.memory_space<hbm>> -> memref<1x200x128xi32, #tpu.memory_space<hbm>>
      %dma_start3A_160 = tpu.memref_squeeze %dma_start3A_159 : memref<1x200x128xi32, #tpu.memory_space<hbm>> -> memref<200x128xi32, #tpu.memory_space<hbm>>
      tpu.enqueue_dma source(%dma_start3A_160 : memref<200x128xi32, #tpu.memory_space<hbm>>) target(%arg5 : memref<200x128xi32, #tpu.memory_space<vmem>>) target_semaphore(%run_scoped3A : memref<!tpu.dma_semaphore, #tpu.memory_space<semaphore_mem>>)
      %dma_wait3A_161 = arith.constant 0 : i32
      %dma_wait3A_162 = arith.constant 0 : i32
      %dma_wait3A_163 = tpu.memref_slice %arg3[%add3A, %dma_wait3A_161, %dma_wait3A_162] : memref<32x200x128xi32, #tpu.memory_space<hbm>> -> memref<1x200x128xi32, #tpu.memory_space<hbm>>
      %dma_wait3A_164 = tpu.memref_squeeze %dma_wait3A_163 : memref<1x200x128xi32, #tpu.memory_space<hbm>> -> memref<200x128xi32, #tpu.memory_space<hbm>>
      %dma_wait3A_165 = arith.constant 0 : i32
      %dma_wait3A_166 = arith.constant 0 : i32
      %dma_wait3A_167 = tpu.memref_slice %arg3[%add3A, %dma_wait3A_165, %dma_wait3A_166] : memref<32x200x128xi32, #tpu.memory_space<hbm>> -> memref<1x200x128xi32, #tpu.memory_space<hbm>>
      %dma_wait3A_168 = tpu.memref_squeeze %dma_wait3A_167 : memref<1x200x128xi32, #tpu.memory_space<hbm>> -> memref<200x128xi32, #tpu.memory_space<hbm>>
      tpu.wait_dma2 semaphore(%run_scoped3A : memref<!tpu.dma_semaphore, #tpu.memory_space<semaphore_mem>>) src(%dma_wait3A_168 : memref<200x128xi32, #tpu.memory_space<hbm>>) dst(%arg5 : memref<200x128xi32, #tpu.memory_space<vmem>>)
      tpu.yield
    }) : () -> ()
    %dma_start3A = arith.constant 0 : i32
    %dma_start3A_3 = arith.constant 0 : i32
    %dma_start3A_4 = arith.constant 0 : i32
    %dma_start3A_5 = arith.constant 0 : i32
    %dma_start3A_6 = arith.constant 0 : i32
    %dma_start3A_7 = tpu.memref_slice %arg6[%dma_start3A_3, %dma_start3A_4, %dma_start3A_5, %dma_start3A_6] : memref<5x2x128x64xf32, #tpu.memory_space<vmem>> -> memref<1x1x128x64xf32, #tpu.memory_space<vmem>>
    %dma_start3A_8 = tpu.memref_squeeze %dma_start3A_7 : memref<1x1x128x64xf32, #tpu.memory_space<vmem>> -> memref<128x64xf32, #tpu.memory_space<vmem>>
    %dma_start3A_9 = arith.constant 0 : i32
    %dma_start3A_10 = tpu.memref_slice %arg5[%dma_start3A, %dma_start3A_9] : memref<200x128xi32, #tpu.memory_space<vmem>> -> memref<1x128xi32, #tpu.memory_space<vmem>>
    %dma_start3A_11 = tpu.memref_squeeze %dma_start3A_10 : memref<1x128xi32, #tpu.memory_space<vmem>> -> memref<128xi32, #tpu.memory_space<vmem>>
    %dma_start3A_12 = arith.constant 0 : i32
    %dma_start3A_13 = arith.constant 0 : i32
    %dma_start3A_14 = tpu.memref_slice %arg2[%dma_start3A_12, %dma_start3A_13] : memref<1000000x64xf32, #tpu.memory_space<hbm>> -> memref<1000000x64xf32, #tpu.memory_space<hbm>>
    tpu.enqueue_indirect_dma source(%dma_start3A_14 : memref<1000000x64xf32, #tpu.memory_space<hbm>>) target(%dma_start3A_8 : memref<128x64xf32, #tpu.memory_space<vmem>>) offsets(%dma_start3A_11 : memref<128xi32, #tpu.memory_space<vmem>>) semaphore(%arg7 : memref<!tpu.dma_semaphore, #tpu.memory_space<semaphore_mem>>)
    %dma_start3A_15 = arith.constant 1 : i32
    %dma_start3A_16 = arith.constant 0 : i32
    %dma_start3A_17 = arith.constant 1 : i32
    %dma_start3A_18 = arith.constant 0 : i32
    %dma_start3A_19 = arith.constant 0 : i32
    %dma_start3A_20 = tpu.memref_slice %arg6[%dma_start3A_16, %dma_start3A_17, %dma_start3A_18, %dma_start3A_19] : memref<5x2x128x64xf32, #tpu.memory_space<vmem>> -> memref<1x1x128x64xf32, #tpu.memory_space<vmem>>
    %dma_start3A_21 = tpu.memref_squeeze %dma_start3A_20 : memref<1x1x128x64xf32, #tpu.memory_space<vmem>> -> memref<128x64xf32, #tpu.memory_space<vmem>>
    %dma_start3A_22 = arith.constant 0 : i32
    %dma_start3A_23 = tpu.memref_slice %arg5[%dma_start3A_15, %dma_start3A_22] : memref<200x128xi32, #tpu.memory_space<vmem>> -> memref<1x128xi32, #tpu.memory_space<vmem>>
    %dma_start3A_24 = tpu.memref_squeeze %dma_start3A_23 : memref<1x128xi32, #tpu.memory_space<vmem>> -> memref<128xi32, #tpu.memory_space<vmem>>
    %dma_start3A_25 = arith.constant 0 : i32
    %dma_start3A_26 = arith.constant 0 : i32
    %dma_start3A_27 = tpu.memref_slice %arg2[%dma_start3A_25, %dma_start3A_26] : memref<1000000x64xf32, #tpu.memory_space<hbm>> -> memref<1000000x64xf32, #tpu.memory_space<hbm>>
    tpu.enqueue_indirect_dma source(%dma_start3A_27 : memref<1000000x64xf32, #tpu.memory_space<hbm>>) target(%dma_start3A_21 : memref<128x64xf32, #tpu.memory_space<vmem>>) offsets(%dma_start3A_24 : memref<128xi32, #tpu.memory_space<vmem>>) semaphore(%arg7 : memref<!tpu.dma_semaphore, #tpu.memory_space<semaphore_mem>>)
    %dma_start3A_28 = arith.constant 2 : i32
    %dma_start3A_29 = arith.constant 1 : i32
    %dma_start3A_30 = arith.constant 0 : i32
    %dma_start3A_31 = arith.constant 0 : i32
    %dma_start3A_32 = arith.constant 0 : i32
    %dma_start3A_33 = tpu.memref_slice %arg6[%dma_start3A_29, %dma_start3A_30, %dma_start3A_31, %dma_start3A_32] : memref<5x2x128x64xf32, #tpu.memory_space<vmem>> -> memref<1x1x128x64xf32, #tpu.memory_space<vmem>>
    %dma_start3A_34 = tpu.memref_squeeze %dma_start3A_33 : memref<1x1x128x64xf32, #tpu.memory_space<vmem>> -> memref<128x64xf32, #tpu.memory_space<vmem>>
    %dma_start3A_35 = arith.constant 0 : i32
    %dma_start3A_36 = tpu.memref_slice %arg5[%dma_start3A_28, %dma_start3A_35] : memref<200x128xi32, #tpu.memory_space<vmem>> -> memref<1x128xi32, #tpu.memory_space<vmem>>
    %dma_start3A_37 = tpu.memref_squeeze %dma_start3A_36 : memref<1x128xi32, #tpu.memory_space<vmem>> -> memref<128xi32, #tpu.memory_space<vmem>>
    %dma_start3A_38 = arith.constant 0 : i32
    %dma_start3A_39 = arith.constant 0 : i32
    %dma_start3A_40 = tpu.memref_slice %arg2[%dma_start3A_38, %dma_start3A_39] : memref<1000000x64xf32, #tpu.memory_space<hbm>> -> memref<1000000x64xf32, #tpu.memory_space<hbm>>
    tpu.enqueue_indirect_dma source(%dma_start3A_40 : memref<1000000x64xf32, #tpu.memory_space<hbm>>) target(%dma_start3A_34 : memref<128x64xf32, #tpu.memory_space<vmem>>) offsets(%dma_start3A_37 : memref<128xi32, #tpu.memory_space<vmem>>) semaphore(%arg7 : memref<!tpu.dma_semaphore, #tpu.memory_space<semaphore_mem>>)
    %dma_start3A_41 = arith.constant 3 : i32
    %dma_start3A_42 = arith.constant 1 : i32
    %dma_start3A_43 = arith.constant 1 : i32
    %dma_start3A_44 = arith.constant 0 : i32
    %dma_start3A_45 = arith.constant 0 : i32
    %dma_start3A_46 = tpu.memref_slice %arg6[%dma_start3A_42, %dma_start3A_43, %dma_start3A_44, %dma_start3A_45] : memref<5x2x128x64xf32, #tpu.memory_space<vmem>> -> memref<1x1x128x64xf32, #tpu.memory_space<vmem>>
    %dma_start3A_47 = tpu.memref_squeeze %dma_start3A_46 : memref<1x1x128x64xf32, #tpu.memory_space<vmem>> -> memref<128x64xf32, #tpu.memory_space<vmem>>
    %dma_start3A_48 = arith.constant 0 : i32
    %dma_start3A_49 = tpu.memref_slice %arg5[%dma_start3A_41, %dma_start3A_48] : memref<200x128xi32, #tpu.memory_space<vmem>> -> memref<1x128xi32, #tpu.memory_space<vmem>>
    %dma_start3A_50 = tpu.memref_squeeze %dma_start3A_49 : memref<1x128xi32, #tpu.memory_space<vmem>> -> memref<128xi32, #tpu.memory_space<vmem>>
    %dma_start3A_51 = arith.constant 0 : i32
    %dma_start3A_52 = arith.constant 0 : i32
    %dma_start3A_53 = tpu.memref_slice %arg2[%dma_start3A_51, %dma_start3A_52] : memref<1000000x64xf32, #tpu.memory_space<hbm>> -> memref<1000000x64xf32, #tpu.memory_space<hbm>>
    tpu.enqueue_indirect_dma source(%dma_start3A_53 : memref<1000000x64xf32, #tpu.memory_space<hbm>>) target(%dma_start3A_47 : memref<128x64xf32, #tpu.memory_space<vmem>>) offsets(%dma_start3A_50 : memref<128xi32, #tpu.memory_space<vmem>>) semaphore(%arg7 : memref<!tpu.dma_semaphore, #tpu.memory_space<semaphore_mem>>)
    %scan3A = arith.constant 0 : i32
    %scan3A_54 = arith.constant 20 : i32
    %scan3A_55 = arith.addi %scan3A, %scan3A_54 : i32
    %scan3A_56 = arith.constant 1 : i32
    scf.for %scan3A_153 = %scan3A to %scan3A_55 step %scan3A_56  : i32 {
      %mul3A_154 = arith.constant 5 : i32
      %mul3A_155 = arith.muli %scan3A_153, %mul3A_154 : i32
      %add3A_156 = arith.constant 0 : i32
      %add3A_157 = arith.addi %add3A_156, %mul3A_155 : i32
      %add3A_158 = arith.constant 0 : i32
      %add3A_159 = arith.addi %add3A_157, %add3A_158 : i32
      %mul3A_160 = arith.constant 2 : i32
      %mul3A_161 = arith.muli %add3A_159, %mul3A_160 : i32
      %add3A_162 = arith.constant 0 : i32
      %add3A_163 = arith.addi %mul3A_161, %add3A_162 : i32
      %dma_wait3A_164 = arith.constant 0 : i32
      %dma_wait3A_165 = arith.constant 0 : i32
      %dma_wait3A_166 = arith.constant 0 : i32
      %dma_wait3A_167 = arith.constant 0 : i32
      %dma_wait3A_168 = tpu.memref_slice %arg6[%dma_wait3A_164, %dma_wait3A_165, %dma_wait3A_166, %dma_wait3A_167] : memref<5x2x128x64xf32, #tpu.memory_space<vmem>> -> memref<1x1x128x64xf32, #tpu.memory_space<vmem>>
      %dma_wait3A_169 = tpu.memref_squeeze %dma_wait3A_168 : memref<1x1x128x64xf32, #tpu.memory_space<vmem>> -> memref<128x64xf32, #tpu.memory_space<vmem>>
      %dma_wait3A_170 = arith.constant 0 : i32
      %dma_wait3A_171 = tpu.memref_slice %arg5[%add3A_163, %dma_wait3A_170] : memref<200x128xi32, #tpu.memory_space<vmem>> -> memref<1x128xi32, #tpu.memory_space<vmem>>
      %dma_wait3A_172 = tpu.memref_squeeze %dma_wait3A_171 : memref<1x128xi32, #tpu.memory_space<vmem>> -> memref<128xi32, #tpu.memory_space<vmem>>
      %dma_wait3A_173 = arith.constant 0 : i32
      %dma_wait3A_174 = arith.constant 0 : i32
      %dma_wait3A_175 = tpu.memref_slice %arg2[%dma_wait3A_173, %dma_wait3A_174] : memref<1000000x64xf32, #tpu.memory_space<hbm>> -> memref<1000000x64xf32, #tpu.memory_space<hbm>>
      tpu.wait_indirect_dma semaphore(%arg7 : memref<!tpu.dma_semaphore, #tpu.memory_space<semaphore_mem>>) src(%dma_wait3A_175 : memref<1000000x64xf32, #tpu.memory_space<hbm>>) dst(%dma_wait3A_169 : memref<128x64xf32, #tpu.memory_space<vmem>>)
      %mul3A_176 = arith.constant 2 : i32
      %mul3A_177 = arith.muli %add3A_159, %mul3A_176 : i32
      %add3A_178 = arith.constant 1 : i32
      %add3A_179 = arith.addi %mul3A_177, %add3A_178 : i32
      %dma_wait3A_180 = arith.constant 0 : i32
      %dma_wait3A_181 = arith.constant 1 : i32
      %dma_wait3A_182 = arith.constant 0 : i32
      %dma_wait3A_183 = arith.constant 0 : i32
      %dma_wait3A_184 = tpu.memref_slice %arg6[%dma_wait3A_180, %dma_wait3A_181, %dma_wait3A_182, %dma_wait3A_183] : memref<5x2x128x64xf32, #tpu.memory_space<vmem>> -> memref<1x1x128x64xf32, #tpu.memory_space<vmem>>
      %dma_wait3A_185 = tpu.memref_squeeze %dma_wait3A_184 : memref<1x1x128x64xf32, #tpu.memory_space<vmem>> -> memref<128x64xf32, #tpu.memory_space<vmem>>
      %dma_wait3A_186 = arith.constant 0 : i32
      %dma_wait3A_187 = tpu.memref_slice %arg5[%add3A_179, %dma_wait3A_186] : memref<200x128xi32, #tpu.memory_space<vmem>> -> memref<1x128xi32, #tpu.memory_space<vmem>>
      %dma_wait3A_188 = tpu.memref_squeeze %dma_wait3A_187 : memref<1x128xi32, #tpu.memory_space<vmem>> -> memref<128xi32, #tpu.memory_space<vmem>>
      %dma_wait3A_189 = arith.constant 0 : i32
      %dma_wait3A_190 = arith.constant 0 : i32
      %dma_wait3A_191 = tpu.memref_slice %arg2[%dma_wait3A_189, %dma_wait3A_190] : memref<1000000x64xf32, #tpu.memory_space<hbm>> -> memref<1000000x64xf32, #tpu.memory_space<hbm>>
      tpu.wait_indirect_dma semaphore(%arg7 : memref<!tpu.dma_semaphore, #tpu.memory_space<semaphore_mem>>) src(%dma_wait3A_191 : memref<1000000x64xf32, #tpu.memory_space<hbm>>) dst(%dma_wait3A_185 : memref<128x64xf32, #tpu.memory_space<vmem>>)
      %mul3A_192 = arith.constant 2 : i32
      %mul3A_193 = arith.muli %add3A_159, %mul3A_192 : i32
      %add3A_194 = arith.constant 0 : i32
      %add3A_195 = arith.addi %mul3A_193, %add3A_194 : i32
      %mul3A_196 = arith.constant 128 : i32
      %mul3A_197 = arith.muli %add3A_195, %mul3A_196 : i32
      %add3A_198 = arith.addi %mul3A_2, %mul3A_197 : i32
      %dma_start3A_199 = arith.constant 0 : i32
      %dma_start3A_200 = arith.constant 0 : i32
      %dma_start3A_201 = arith.constant 0 : i32
      %dma_start3A_202 = arith.constant 0 : i32
      %dma_start3A_203 = tpu.memref_slice %arg6[%dma_start3A_199, %dma_start3A_200, %dma_start3A_201, %dma_start3A_202] : memref<5x2x128x64xf32, #tpu.memory_space<vmem>> -> memref<1x1x128x64xf32, #tpu.memory_space<vmem>>
      %dma_start3A_204 = tpu.memref_squeeze %dma_start3A_203 : memref<1x1x128x64xf32, #tpu.memory_space<vmem>> -> memref<128x64xf32, #tpu.memory_space<vmem>>
      %dma_start3A_205 = arith.constant 0 : i32
      %dma_start3A_206 = tpu.memref_slice %arg4[%add3A_198, %dma_start3A_205] : memref<819200x64xf32, #tpu.memory_space<hbm>> -> memref<128x64xf32, #tpu.memory_space<hbm>>
      %dma_start3A_207 = arith.constant 0 : i32
      %dma_start3A_208 = tpu.memref_slice %arg4[%add3A_198, %dma_start3A_207] : memref<819200x64xf32, #tpu.memory_space<hbm>> -> memref<128x64xf32, #tpu.memory_space<hbm>>
      %dma_start3A_209 = arith.constant 0 : i32
      %dma_start3A_210 = arith.constant 0 : i32
      %dma_start3A_211 = tpu.memref_slice %arg6[%dma_start3A_199, %dma_start3A_200, %dma_start3A_209, %dma_start3A_210] : memref<5x2x128x64xf32, #tpu.memory_space<vmem>> -> memref<1x1x128x64xf32, #tpu.memory_space<vmem>>
      %dma_start3A_212 = tpu.memref_squeeze %dma_start3A_211 : memref<1x1x128x64xf32, #tpu.memory_space<vmem>> -> memref<128x64xf32, #tpu.memory_space<vmem>>
      tpu.enqueue_dma source(%dma_start3A_212 : memref<128x64xf32, #tpu.memory_space<vmem>>) target(%dma_start3A_208 : memref<128x64xf32, #tpu.memory_space<hbm>>) target_semaphore(%arg8 : memref<!tpu.dma_semaphore, #tpu.memory_space<semaphore_mem>>)
      %mul3A_213 = arith.constant 2 : i32
      %mul3A_214 = arith.muli %add3A_159, %mul3A_213 : i32
      %add3A_215 = arith.constant 1 : i32
      %add3A_216 = arith.addi %mul3A_214, %add3A_215 : i32
      %mul3A_217 = arith.constant 128 : i32
      %mul3A_218 = arith.muli %add3A_216, %mul3A_217 : i32
      %add3A_219 = arith.addi %mul3A_2, %mul3A_218 : i32
      %dma_start3A_220 = arith.constant 0 : i32
      %dma_start3A_221 = arith.constant 1 : i32
      %dma_start3A_222 = arith.constant 0 : i32
      %dma_start3A_223 = arith.constant 0 : i32
      %dma_start3A_224 = tpu.memref_slice %arg6[%dma_start3A_220, %dma_start3A_221, %dma_start3A_222, %dma_start3A_223] : memref<5x2x128x64xf32, #tpu.memory_space<vmem>> -> memref<1x1x128x64xf32, #tpu.memory_space<vmem>>
      %dma_start3A_225 = tpu.memref_squeeze %dma_start3A_224 : memref<1x1x128x64xf32, #tpu.memory_space<vmem>> -> memref<128x64xf32, #tpu.memory_space<vmem>>
      %dma_start3A_226 = arith.constant 0 : i32
      %dma_start3A_227 = tpu.memref_slice %arg4[%add3A_219, %dma_start3A_226] : memref<819200x64xf32, #tpu.memory_space<hbm>> -> memref<128x64xf32, #tpu.memory_space<hbm>>
      %dma_start3A_228 = arith.constant 0 : i32
      %dma_start3A_229 = tpu.memref_slice %arg4[%add3A_219, %dma_start3A_228] : memref<819200x64xf32, #tpu.memory_space<hbm>> -> memref<128x64xf32, #tpu.memory_space<hbm>>
      %dma_start3A_230 = arith.constant 0 : i32
      %dma_start3A_231 = arith.constant 0 : i32
      %dma_start3A_232 = tpu.memref_slice %arg6[%dma_start3A_220, %dma_start3A_221, %dma_start3A_230, %dma_start3A_231] : memref<5x2x128x64xf32, #tpu.memory_space<vmem>> -> memref<1x1x128x64xf32, #tpu.memory_space<vmem>>
      %dma_start3A_233 = tpu.memref_squeeze %dma_start3A_232 : memref<1x1x128x64xf32, #tpu.memory_space<vmem>> -> memref<128x64xf32, #tpu.memory_space<vmem>>
      tpu.enqueue_dma source(%dma_start3A_233 : memref<128x64xf32, #tpu.memory_space<vmem>>) target(%dma_start3A_229 : memref<128x64xf32, #tpu.memory_space<hbm>>) target_semaphore(%arg8 : memref<!tpu.dma_semaphore, #tpu.memory_space<semaphore_mem>>)
      %ge3A = arith.constant 3 : i32
      %ge3A_234 = arith.cmpi sge, %add3A_159, %ge3A : i32
      %convert_element_type3A = arith.extui %ge3A_234 : i1 to i32
      %cond3A = arith.constant 0 : i32
      %cond3A_235 = arith.cmpi ne, %convert_element_type3A, %cond3A : i32
      scf.if %cond3A_235 {
        %sub3A = arith.constant 3 : i32
        %sub3A_594 = arith.subi %add3A_159, %sub3A : i32
        %mul3A_595 = arith.constant 2 : i32
        %mul3A_596 = arith.muli %sub3A_594, %mul3A_595 : i32
        %add3A_597 = arith.constant 0 : i32
        %add3A_598 = arith.addi %mul3A_596, %add3A_597 : i32
        %mul3A_599 = arith.constant 128 : i32
        %mul3A_600 = arith.muli %add3A_598, %mul3A_599 : i32
        %add3A_601 = arith.addi %mul3A_2, %mul3A_600 : i32
        %dma_wait3A_602 = arith.constant 2 : i32
        %dma_wait3A_603 = arith.constant 0 : i32
        %dma_wait3A_604 = arith.constant 0 : i32
        %dma_wait3A_605 = arith.constant 0 : i32
        %dma_wait3A_606 = tpu.memref_slice %arg6[%dma_wait3A_602, %dma_wait3A_603, %dma_wait3A_604, %dma_wait3A_605] : memref<5x2x128x64xf32, #tpu.memory_space<vmem>> -> memref<1x1x128x64xf32, #tpu.memory_space<vmem>>
        %dma_wait3A_607 = tpu.memref_squeeze %dma_wait3A_606 : memref<1x1x128x64xf32, #tpu.memory_space<vmem>> -> memref<128x64xf32, #tpu.memory_space<vmem>>
        %dma_wait3A_608 = arith.constant 0 : i32
        %dma_wait3A_609 = tpu.memref_slice %arg4[%add3A_601, %dma_wait3A_608] : memref<819200x64xf32, #tpu.memory_space<hbm>> -> memref<128x64xf32, #tpu.memory_space<hbm>>
        %dma_wait3A_610 = arith.constant 0 : i32
        %dma_wait3A_611 = tpu.memref_slice %arg4[%add3A_601, %dma_wait3A_610] : memref<819200x64xf32, #tpu.memory_space<hbm>> -> memref<128x64xf32, #tpu.memory_space<hbm>>
        %dma_wait3A_612 = arith.constant 0 : i32
        %dma_wait3A_613 = arith.constant 0 : i32
        %dma_wait3A_614 = tpu.memref_slice %arg6[%dma_wait3A_602, %dma_wait3A_603, %dma_wait3A_612, %dma_wait3A_613] : memref<5x2x128x64xf32, #tpu.memory_space<vmem>> -> memref<1x1x128x64xf32, #tpu.memory_space<vmem>>
        %dma_wait3A_615 = tpu.memref_squeeze %dma_wait3A_614 : memref<1x1x128x64xf32, #tpu.memory_space<vmem>> -> memref<128x64xf32, #tpu.memory_space<vmem>>
        tpu.wait_dma2 semaphore(%arg8 : memref<!tpu.dma_semaphore, #tpu.memory_space<semaphore_mem>>) src(%dma_wait3A_615 : memref<128x64xf32, #tpu.memory_space<vmem>>) dst(%dma_wait3A_611 : memref<128x64xf32, #tpu.memory_space<hbm>>)
        %sub3A_616 = arith.constant 3 : i32
        %sub3A_617 = arith.subi %add3A_159, %sub3A_616 : i32
        %mul3A_618 = arith.constant 2 : i32
        %mul3A_619 = arith.muli %sub3A_617, %mul3A_618 : i32
        %add3A_620 = arith.constant 1 : i32
        %add3A_621 = arith.addi %mul3A_619, %add3A_620 : i32
        %mul3A_622 = arith.constant 128 : i32
        %mul3A_623 = arith.muli %add3A_621, %mul3A_622 : i32
        %add3A_624 = arith.addi %mul3A_2, %mul3A_623 : i32
        %dma_wait3A_625 = arith.constant 2 : i32
        %dma_wait3A_626 = arith.constant 1 : i32
        %dma_wait3A_627 = arith.constant 0 : i32
        %dma_wait3A_628 = arith.constant 0 : i32
        %dma_wait3A_629 = tpu.memref_slice %arg6[%dma_wait3A_625, %dma_wait3A_626, %dma_wait3A_627, %dma_wait3A_628] : memref<5x2x128x64xf32, #tpu.memory_space<vmem>> -> memref<1x1x128x64xf32, #tpu.memory_space<vmem>>
        %dma_wait3A_630 = tpu.memref_squeeze %dma_wait3A_629 : memref<1x1x128x64xf32, #tpu.memory_space<vmem>> -> memref<128x64xf32, #tpu.memory_space<vmem>>
        %dma_wait3A_631 = arith.constant 0 : i32
        %dma_wait3A_632 = tpu.memref_slice %arg4[%add3A_624, %dma_wait3A_631] : memref<819200x64xf32, #tpu.memory_space<hbm>> -> memref<128x64xf32, #tpu.memory_space<hbm>>
        %dma_wait3A_633 = arith.constant 0 : i32
        %dma_wait3A_634 = tpu.memref_slice %arg4[%add3A_624, %dma_wait3A_633] : memref<819200x64xf32, #tpu.memory_space<hbm>> -> memref<128x64xf32, #tpu.memory_space<hbm>>
        %dma_wait3A_635 = arith.constant 0 : i32
        %dma_wait3A_636 = arith.constant 0 : i32
        %dma_wait3A_637 = tpu.memref_slice %arg6[%dma_wait3A_625, %dma_wait3A_626, %dma_wait3A_635, %dma_wait3A_636] : memref<5x2x128x64xf32, #tpu.memory_space<vmem>> -> memref<1x1x128x64xf32, #tpu.memory_space<vmem>>
        %dma_wait3A_638 = tpu.memref_squeeze %dma_wait3A_637 : memref<1x1x128x64xf32, #tpu.memory_space<vmem>> -> memref<128x64xf32, #tpu.memory_space<vmem>>
        tpu.wait_dma2 semaphore(%arg8 : memref<!tpu.dma_semaphore, #tpu.memory_space<semaphore_mem>>) src(%dma_wait3A_638 : memref<128x64xf32, #tpu.memory_space<vmem>>) dst(%dma_wait3A_634 : memref<128x64xf32, #tpu.memory_space<hbm>>)
      } else {
      }
      %add3A_236 = arith.constant 2 : i32
      %add3A_237 = arith.addi %add3A_159, %add3A_236 : i32
      %lt3A = arith.constant 100 : i32
      %lt3A_238 = arith.cmpi slt, %add3A_237, %lt3A : i32
      %convert_element_type3A_239 = arith.extui %lt3A_238 : i1 to i32
      %cond3A_240 = arith.constant 0 : i32
      %cond3A_241 = arith.cmpi ne, %convert_element_type3A_239, %cond3A_240 : i32
      scf.if %cond3A_241 {
        %add3A_594 = arith.constant 2 : i32
        %add3A_595 = arith.addi %add3A_159, %add3A_594 : i32
        %mul3A_596 = arith.constant 2 : i32
        %mul3A_597 = arith.muli %add3A_595, %mul3A_596 : i32
        %add3A_598 = arith.constant 0 : i32
        %add3A_599 = arith.addi %mul3A_597, %add3A_598 : i32
        %dma_start3A_600 = arith.constant 2 : i32
        %dma_start3A_601 = arith.constant 0 : i32
        %dma_start3A_602 = arith.constant 0 : i32
        %dma_start3A_603 = arith.constant 0 : i32
        %dma_start3A_604 = tpu.memref_slice %arg6[%dma_start3A_600, %dma_start3A_601, %dma_start3A_602, %dma_start3A_603] : memref<5x2x128x64xf32, #tpu.memory_space<vmem>> -> memref<1x1x128x64xf32, #tpu.memory_space<vmem>>
        %dma_start3A_605 = tpu.memref_squeeze %dma_start3A_604 : memref<1x1x128x64xf32, #tpu.memory_space<vmem>> -> memref<128x64xf32, #tpu.memory_space<vmem>>
        %dma_start3A_606 = arith.constant 0 : i32
        %dma_start3A_607 = tpu.memref_slice %arg5[%add3A_599, %dma_start3A_606] : memref<200x128xi32, #tpu.memory_space<vmem>> -> memref<1x128xi32, #tpu.memory_space<vmem>>
        %dma_start3A_608 = tpu.memref_squeeze %dma_start3A_607 : memref<1x128xi32, #tpu.memory_space<vmem>> -> memref<128xi32, #tpu.memory_space<vmem>>
        %dma_start3A_609 = arith.constant 0 : i32
        %dma_start3A_610 = arith.constant 0 : i32
        %dma_start3A_611 = tpu.memref_slice %arg2[%dma_start3A_609, %dma_start3A_610] : memref<1000000x64xf32, #tpu.memory_space<hbm>> -> memref<1000000x64xf32, #tpu.memory_space<hbm>>
        tpu.enqueue_indirect_dma source(%dma_start3A_611 : memref<1000000x64xf32, #tpu.memory_space<hbm>>) target(%dma_start3A_605 : memref<128x64xf32, #tpu.memory_space<vmem>>) offsets(%dma_start3A_608 : memref<128xi32, #tpu.memory_space<vmem>>) semaphore(%arg7 : memref<!tpu.dma_semaphore, #tpu.memory_space<semaphore_mem>>)
        %mul3A_612 = arith.constant 2 : i32
        %mul3A_613 = arith.muli %add3A_595, %mul3A_612 : i32
        %add3A_614 = arith.constant 1 : i32
        %add3A_615 = arith.addi %mul3A_613, %add3A_614 : i32
        %dma_start3A_616 = arith.constant 2 : i32
        %dma_start3A_617 = arith.constant 1 : i32
        %dma_start3A_618 = arith.constant 0 : i32
        %dma_start3A_619 = arith.constant 0 : i32
        %dma_start3A_620 = tpu.memref_slice %arg6[%dma_start3A_616, %dma_start3A_617, %dma_start3A_618, %dma_start3A_619] : memref<5x2x128x64xf32, #tpu.memory_space<vmem>> -> memref<1x1x128x64xf32, #tpu.memory_space<vmem>>
        %dma_start3A_621 = tpu.memref_squeeze %dma_start3A_620 : memref<1x1x128x64xf32, #tpu.memory_space<vmem>> -> memref<128x64xf32, #tpu.memory_space<vmem>>
        %dma_start3A_622 = arith.constant 0 : i32
        %dma_start3A_623 = tpu.memref_slice %arg5[%add3A_615, %dma_start3A_622] : memref<200x128xi32, #tpu.memory_space<vmem>> -> memref<1x128xi32, #tpu.memory_space<vmem>>
        %dma_start3A_624 = tpu.memref_squeeze %dma_start3A_623 : memref<1x128xi32, #tpu.memory_space<vmem>> -> memref<128xi32, #tpu.memory_space<vmem>>
        %dma_start3A_625 = arith.constant 0 : i32
        %dma_start3A_626 = arith.constant 0 : i32
        %dma_start3A_627 = tpu.memref_slice %arg2[%dma_start3A_625, %dma_start3A_626] : memref<1000000x64xf32, #tpu.memory_space<hbm>> -> memref<1000000x64xf32, #tpu.memory_space<hbm>>
        tpu.enqueue_indirect_dma source(%dma_start3A_627 : memref<1000000x64xf32, #tpu.memory_space<hbm>>) target(%dma_start3A_621 : memref<128x64xf32, #tpu.memory_space<vmem>>) offsets(%dma_start3A_624 : memref<128xi32, #tpu.memory_space<vmem>>) semaphore(%arg7 : memref<!tpu.dma_semaphore, #tpu.memory_space<semaphore_mem>>)
      } else {
      }
      %add3A_242 = arith.constant 1 : i32
      %add3A_243 = arith.addi %add3A_157, %add3A_242 : i32
      %mul3A_244 = arith.constant 2 : i32
      %mul3A_245 = arith.muli %add3A_243, %mul3A_244 : i32
      %add3A_246 = arith.constant 0 : i32
      %add3A_247 = arith.addi %mul3A_245, %add3A_246 : i32
      %dma_wait3A_248 = arith.constant 1 : i32
      %dma_wait3A_249 = arith.constant 0 : i32
      %dma_wait3A_250 = arith.constant 0 : i32
      %dma_wait3A_251 = arith.constant 0 : i32
      %dma_wait3A_252 = tpu.memref_slice %arg6[%dma_wait3A_248, %dma_wait3A_249, %dma_wait3A_250, %dma_wait3A_251] : memref<5x2x128x64xf32, #tpu.memory_space<vmem>> -> memref<1x1x128x64xf32, #tpu.memory_space<vmem>>
      %dma_wait3A_253 = tpu.memref_squeeze %dma_wait3A_252 : memref<1x1x128x64xf32, #tpu.memory_space<vmem>> -> memref<128x64xf32, #tpu.memory_space<vmem>>
      %dma_wait3A_254 = arith.constant 0 : i32
      %dma_wait3A_255 = tpu.memref_slice %arg5[%add3A_247, %dma_wait3A_254] : memref<200x128xi32, #tpu.memory_space<vmem>> -> memref<1x128xi32, #tpu.memory_space<vmem>>
      %dma_wait3A_256 = tpu.memref_squeeze %dma_wait3A_255 : memref<1x128xi32, #tpu.memory_space<vmem>> -> memref<128xi32, #tpu.memory_space<vmem>>
      %dma_wait3A_257 = arith.constant 0 : i32
      %dma_wait3A_258 = arith.constant 0 : i32
      %dma_wait3A_259 = tpu.memref_slice %arg2[%dma_wait3A_257, %dma_wait3A_258] : memref<1000000x64xf32, #tpu.memory_space<hbm>> -> memref<1000000x64xf32, #tpu.memory_space<hbm>>
      tpu.wait_indirect_dma semaphore(%arg7 : memref<!tpu.dma_semaphore, #tpu.memory_space<semaphore_mem>>) src(%dma_wait3A_259 : memref<1000000x64xf32, #tpu.memory_space<hbm>>) dst(%dma_wait3A_253 : memref<128x64xf32, #tpu.memory_space<vmem>>)
      %mul3A_260 = arith.constant 2 : i32
      %mul3A_261 = arith.muli %add3A_243, %mul3A_260 : i32
      %add3A_262 = arith.constant 1 : i32
      %add3A_263 = arith.addi %mul3A_261, %add3A_262 : i32
      %dma_wait3A_264 = arith.constant 1 : i32
      %dma_wait3A_265 = arith.constant 1 : i32
      %dma_wait3A_266 = arith.constant 0 : i32
      %dma_wait3A_267 = arith.constant 0 : i32
      %dma_wait3A_268 = tpu.memref_slice %arg6[%dma_wait3A_264, %dma_wait3A_265, %dma_wait3A_266, %dma_wait3A_267] : memref<5x2x128x64xf32, #tpu.memory_space<vmem>> -> memref<1x1x128x64xf32, #tpu.memory_space<vmem>>
      %dma_wait3A_269 = tpu.memref_squeeze %dma_wait3A_268 : memref<1x1x128x64xf32, #tpu.memory_space<vmem>> -> memref<128x64xf32, #tpu.memory_space<vmem>>
      %dma_wait3A_270 = arith.constant 0 : i32
      %dma_wait3A_271 = tpu.memref_slice %arg5[%add3A_263, %dma_wait3A_270] : memref<200x128xi32, #tpu.memory_space<vmem>> -> memref<1x128xi32, #tpu.memory_space<vmem>>
      %dma_wait3A_272 = tpu.memref_squeeze %dma_wait3A_271 : memref<1x128xi32, #tpu.memory_space<vmem>> -> memref<128xi32, #tpu.memory_space<vmem>>
      %dma_wait3A_273 = arith.constant 0 : i32
      %dma_wait3A_274 = arith.constant 0 : i32
      %dma_wait3A_275 = tpu.memref_slice %arg2[%dma_wait3A_273, %dma_wait3A_274] : memref<1000000x64xf32, #tpu.memory_space<hbm>> -> memref<1000000x64xf32, #tpu.memory_space<hbm>>
      tpu.wait_indirect_dma semaphore(%arg7 : memref<!tpu.dma_semaphore, #tpu.memory_space<semaphore_mem>>) src(%dma_wait3A_275 : memref<1000000x64xf32, #tpu.memory_space<hbm>>) dst(%dma_wait3A_269 : memref<128x64xf32, #tpu.memory_space<vmem>>)
      %mul3A_276 = arith.constant 2 : i32
      %mul3A_277 = arith.muli %add3A_243, %mul3A_276 : i32
      %add3A_278 = arith.constant 0 : i32
      %add3A_279 = arith.addi %mul3A_277, %add3A_278 : i32
      %mul3A_280 = arith.constant 128 : i32
      %mul3A_281 = arith.muli %add3A_279, %mul3A_280 : i32
      %add3A_282 = arith.addi %mul3A_2, %mul3A_281 : i32
      %dma_start3A_283 = arith.constant 1 : i32
      %dma_start3A_284 = arith.constant 0 : i32
      %dma_start3A_285 = arith.constant 0 : i32
      %dma_start3A_286 = arith.constant 0 : i32
      %dma_start3A_287 = tpu.memref_slice %arg6[%dma_start3A_283, %dma_start3A_284, %dma_start3A_285, %dma_start3A_286] : memref<5x2x128x64xf32, #tpu.memory_space<vmem>> -> memref<1x1x128x64xf32, #tpu.memory_space<vmem>>
      %dma_start3A_288 = tpu.memref_squeeze %dma_start3A_287 : memref<1x1x128x64xf32, #tpu.memory_space<vmem>> -> memref<128x64xf32, #tpu.memory_space<vmem>>
      %dma_start3A_289 = arith.constant 0 : i32
      %dma_start3A_290 = tpu.memref_slice %arg4[%add3A_282, %dma_start3A_289] : memref<819200x64xf32, #tpu.memory_space<hbm>> -> memref<128x64xf32, #tpu.memory_space<hbm>>
      %dma_start3A_291 = arith.constant 0 : i32
      %dma_start3A_292 = tpu.memref_slice %arg4[%add3A_282, %dma_start3A_291] : memref<819200x64xf32, #tpu.memory_space<hbm>> -> memref<128x64xf32, #tpu.memory_space<hbm>>
      %dma_start3A_293 = arith.constant 0 : i32
      %dma_start3A_294 = arith.constant 0 : i32
      %dma_start3A_295 = tpu.memref_slice %arg6[%dma_start3A_283, %dma_start3A_284, %dma_start3A_293, %dma_start3A_294] : memref<5x2x128x64xf32, #tpu.memory_space<vmem>> -> memref<1x1x128x64xf32, #tpu.memory_space<vmem>>
      %dma_start3A_296 = tpu.memref_squeeze %dma_start3A_295 : memref<1x1x128x64xf32, #tpu.memory_space<vmem>> -> memref<128x64xf32, #tpu.memory_space<vmem>>
      tpu.enqueue_dma source(%dma_start3A_296 : memref<128x64xf32, #tpu.memory_space<vmem>>) target(%dma_start3A_292 : memref<128x64xf32, #tpu.memory_space<hbm>>) target_semaphore(%arg8 : memref<!tpu.dma_semaphore, #tpu.memory_space<semaphore_mem>>)
      %mul3A_297 = arith.constant 2 : i32
      %mul3A_298 = arith.muli %add3A_243, %mul3A_297 : i32
      %add3A_299 = arith.constant 1 : i32
      %add3A_300 = arith.addi %mul3A_298, %add3A_299 : i32
      %mul3A_301 = arith.constant 128 : i32
      %mul3A_302 = arith.muli %add3A_300, %mul3A_301 : i32
      %add3A_303 = arith.addi %mul3A_2, %mul3A_302 : i32
      %dma_start3A_304 = arith.constant 1 : i32
      %dma_start3A_305 = arith.constant 1 : i32
      %dma_start3A_306 = arith.constant 0 : i32
      %dma_start3A_307 = arith.constant 0 : i32
      %dma_start3A_308 = tpu.memref_slice %arg6[%dma_start3A_304, %dma_start3A_305, %dma_start3A_306, %dma_start3A_307] : memref<5x2x128x64xf32, #tpu.memory_space<vmem>> -> memref<1x1x128x64xf32, #tpu.memory_space<vmem>>
      %dma_start3A_309 = tpu.memref_squeeze %dma_start3A_308 : memref<1x1x128x64xf32, #tpu.memory_space<vmem>> -> memref<128x64xf32, #tpu.memory_space<vmem>>
      %dma_start3A_310 = arith.constant 0 : i32
      %dma_start3A_311 = tpu.memref_slice %arg4[%add3A_303, %dma_start3A_310] : memref<819200x64xf32, #tpu.memory_space<hbm>> -> memref<128x64xf32, #tpu.memory_space<hbm>>
      %dma_start3A_312 = arith.constant 0 : i32
      %dma_start3A_313 = tpu.memref_slice %arg4[%add3A_303, %dma_start3A_312] : memref<819200x64xf32, #tpu.memory_space<hbm>> -> memref<128x64xf32, #tpu.memory_space<hbm>>
      %dma_start3A_314 = arith.constant 0 : i32
      %dma_start3A_315 = arith.constant 0 : i32
      %dma_start3A_316 = tpu.memref_slice %arg6[%dma_start3A_304, %dma_start3A_305, %dma_start3A_314, %dma_start3A_315] : memref<5x2x128x64xf32, #tpu.memory_space<vmem>> -> memref<1x1x128x64xf32, #tpu.memory_space<vmem>>
      %dma_start3A_317 = tpu.memref_squeeze %dma_start3A_316 : memref<1x1x128x64xf32, #tpu.memory_space<vmem>> -> memref<128x64xf32, #tpu.memory_space<vmem>>
      tpu.enqueue_dma source(%dma_start3A_317 : memref<128x64xf32, #tpu.memory_space<vmem>>) target(%dma_start3A_313 : memref<128x64xf32, #tpu.memory_space<hbm>>) target_semaphore(%arg8 : memref<!tpu.dma_semaphore, #tpu.memory_space<semaphore_mem>>)
      %ge3A_318 = arith.constant 3 : i32
      %ge3A_319 = arith.cmpi sge, %add3A_243, %ge3A_318 : i32
      %convert_element_type3A_320 = arith.extui %ge3A_319 : i1 to i32
      %cond3A_321 = arith.constant 0 : i32
      %cond3A_322 = arith.cmpi ne, %convert_element_type3A_320, %cond3A_321 : i32
      scf.if %cond3A_322 {
        %sub3A = arith.constant 3 : i32
        %sub3A_594 = arith.subi %add3A_243, %sub3A : i32
        %mul3A_595 = arith.constant 2 : i32
        %mul3A_596 = arith.muli %sub3A_594, %mul3A_595 : i32
        %add3A_597 = arith.constant 0 : i32
        %add3A_598 = arith.addi %mul3A_596, %add3A_597 : i32
        %mul3A_599 = arith.constant 128 : i32
        %mul3A_600 = arith.muli %add3A_598, %mul3A_599 : i32
        %add3A_601 = arith.addi %mul3A_2, %mul3A_600 : i32
        %dma_wait3A_602 = arith.constant 3 : i32
        %dma_wait3A_603 = arith.constant 0 : i32
        %dma_wait3A_604 = arith.constant 0 : i32
        %dma_wait3A_605 = arith.constant 0 : i32
        %dma_wait3A_606 = tpu.memref_slice %arg6[%dma_wait3A_602, %dma_wait3A_603, %dma_wait3A_604, %dma_wait3A_605] : memref<5x2x128x64xf32, #tpu.memory_space<vmem>> -> memref<1x1x128x64xf32, #tpu.memory_space<vmem>>
        %dma_wait3A_607 = tpu.memref_squeeze %dma_wait3A_606 : memref<1x1x128x64xf32, #tpu.memory_space<vmem>> -> memref<128x64xf32, #tpu.memory_space<vmem>>
        %dma_wait3A_608 = arith.constant 0 : i32
        %dma_wait3A_609 = tpu.memref_slice %arg4[%add3A_601, %dma_wait3A_608] : memref<819200x64xf32, #tpu.memory_space<hbm>> -> memref<128x64xf32, #tpu.memory_space<hbm>>
        %dma_wait3A_610 = arith.constant 0 : i32
        %dma_wait3A_611 = tpu.memref_slice %arg4[%add3A_601, %dma_wait3A_610] : memref<819200x64xf32, #tpu.memory_space<hbm>> -> memref<128x64xf32, #tpu.memory_space<hbm>>
        %dma_wait3A_612 = arith.constant 0 : i32
        %dma_wait3A_613 = arith.constant 0 : i32
        %dma_wait3A_614 = tpu.memref_slice %arg6[%dma_wait3A_602, %dma_wait3A_603, %dma_wait3A_612, %dma_wait3A_613] : memref<5x2x128x64xf32, #tpu.memory_space<vmem>> -> memref<1x1x128x64xf32, #tpu.memory_space<vmem>>
        %dma_wait3A_615 = tpu.memref_squeeze %dma_wait3A_614 : memref<1x1x128x64xf32, #tpu.memory_space<vmem>> -> memref<128x64xf32, #tpu.memory_space<vmem>>
        tpu.wait_dma2 semaphore(%arg8 : memref<!tpu.dma_semaphore, #tpu.memory_space<semaphore_mem>>) src(%dma_wait3A_615 : memref<128x64xf32, #tpu.memory_space<vmem>>) dst(%dma_wait3A_611 : memref<128x64xf32, #tpu.memory_space<hbm>>)
        %sub3A_616 = arith.constant 3 : i32
        %sub3A_617 = arith.subi %add3A_243, %sub3A_616 : i32
        %mul3A_618 = arith.constant 2 : i32
        %mul3A_619 = arith.muli %sub3A_617, %mul3A_618 : i32
        %add3A_620 = arith.constant 1 : i32
        %add3A_621 = arith.addi %mul3A_619, %add3A_620 : i32
        %mul3A_622 = arith.constant 128 : i32
        %mul3A_623 = arith.muli %add3A_621, %mul3A_622 : i32
        %add3A_624 = arith.addi %mul3A_2, %mul3A_623 : i32
        %dma_wait3A_625 = arith.constant 3 : i32
        %dma_wait3A_626 = arith.constant 1 : i32
        %dma_wait3A_627 = arith.constant 0 : i32
        %dma_wait3A_628 = arith.constant 0 : i32
        %dma_wait3A_629 = tpu.memref_slice %arg6[%dma_wait3A_625, %dma_wait3A_626, %dma_wait3A_627, %dma_wait3A_628] : memref<5x2x128x64xf32, #tpu.memory_space<vmem>> -> memref<1x1x128x64xf32, #tpu.memory_space<vmem>>
        %dma_wait3A_630 = tpu.memref_squeeze %dma_wait3A_629 : memref<1x1x128x64xf32, #tpu.memory_space<vmem>> -> memref<128x64xf32, #tpu.memory_space<vmem>>
        %dma_wait3A_631 = arith.constant 0 : i32
        %dma_wait3A_632 = tpu.memref_slice %arg4[%add3A_624, %dma_wait3A_631] : memref<819200x64xf32, #tpu.memory_space<hbm>> -> memref<128x64xf32, #tpu.memory_space<hbm>>
        %dma_wait3A_633 = arith.constant 0 : i32
        %dma_wait3A_634 = tpu.memref_slice %arg4[%add3A_624, %dma_wait3A_633] : memref<819200x64xf32, #tpu.memory_space<hbm>> -> memref<128x64xf32, #tpu.memory_space<hbm>>
        %dma_wait3A_635 = arith.constant 0 : i32
        %dma_wait3A_636 = arith.constant 0 : i32
        %dma_wait3A_637 = tpu.memref_slice %arg6[%dma_wait3A_625, %dma_wait3A_626, %dma_wait3A_635, %dma_wait3A_636] : memref<5x2x128x64xf32, #tpu.memory_space<vmem>> -> memref<1x1x128x64xf32, #tpu.memory_space<vmem>>
        %dma_wait3A_638 = tpu.memref_squeeze %dma_wait3A_637 : memref<1x1x128x64xf32, #tpu.memory_space<vmem>> -> memref<128x64xf32, #tpu.memory_space<vmem>>
        tpu.wait_dma2 semaphore(%arg8 : memref<!tpu.dma_semaphore, #tpu.memory_space<semaphore_mem>>) src(%dma_wait3A_638 : memref<128x64xf32, #tpu.memory_space<vmem>>) dst(%dma_wait3A_634 : memref<128x64xf32, #tpu.memory_space<hbm>>)
      } else {
      }
      %add3A_323 = arith.constant 2 : i32
      %add3A_324 = arith.addi %add3A_243, %add3A_323 : i32
      %lt3A_325 = arith.constant 100 : i32
      %lt3A_326 = arith.cmpi slt, %add3A_324, %lt3A_325 : i32
      %convert_element_type3A_327 = arith.extui %lt3A_326 : i1 to i32
      %cond3A_328 = arith.constant 0 : i32
      %cond3A_329 = arith.cmpi ne, %convert_element_type3A_327, %cond3A_328 : i32
      scf.if %cond3A_329 {
        %add3A_594 = arith.constant 2 : i32
        %add3A_595 = arith.addi %add3A_243, %add3A_594 : i32
        %mul3A_596 = arith.constant 2 : i32
        %mul3A_597 = arith.muli %add3A_595, %mul3A_596 : i32
        %add3A_598 = arith.constant 0 : i32
        %add3A_599 = arith.addi %mul3A_597, %add3A_598 : i32
        %dma_start3A_600 = arith.constant 3 : i32
        %dma_start3A_601 = arith.constant 0 : i32
        %dma_start3A_602 = arith.constant 0 : i32
        %dma_start3A_603 = arith.constant 0 : i32
        %dma_start3A_604 = tpu.memref_slice %arg6[%dma_start3A_600, %dma_start3A_601, %dma_start3A_602, %dma_start3A_603] : memref<5x2x128x64xf32, #tpu.memory_space<vmem>> -> memref<1x1x128x64xf32, #tpu.memory_space<vmem>>
        %dma_start3A_605 = tpu.memref_squeeze %dma_start3A_604 : memref<1x1x128x64xf32, #tpu.memory_space<vmem>> -> memref<128x64xf32, #tpu.memory_space<vmem>>
        %dma_start3A_606 = arith.constant 0 : i32
        %dma_start3A_607 = tpu.memref_slice %arg5[%add3A_599, %dma_start3A_606] : memref<200x128xi32, #tpu.memory_space<vmem>> -> memref<1x128xi32, #tpu.memory_space<vmem>>
        %dma_start3A_608 = tpu.memref_squeeze %dma_start3A_607 : memref<1x128xi32, #tpu.memory_space<vmem>> -> memref<128xi32, #tpu.memory_space<vmem>>
        %dma_start3A_609 = arith.constant 0 : i32
        %dma_start3A_610 = arith.constant 0 : i32
        %dma_start3A_611 = tpu.memref_slice %arg2[%dma_start3A_609, %dma_start3A_610] : memref<1000000x64xf32, #tpu.memory_space<hbm>> -> memref<1000000x64xf32, #tpu.memory_space<hbm>>
        tpu.enqueue_indirect_dma source(%dma_start3A_611 : memref<1000000x64xf32, #tpu.memory_space<hbm>>) target(%dma_start3A_605 : memref<128x64xf32, #tpu.memory_space<vmem>>) offsets(%dma_start3A_608 : memref<128xi32, #tpu.memory_space<vmem>>) semaphore(%arg7 : memref<!tpu.dma_semaphore, #tpu.memory_space<semaphore_mem>>)
        %mul3A_612 = arith.constant 2 : i32
        %mul3A_613 = arith.muli %add3A_595, %mul3A_612 : i32
        %add3A_614 = arith.constant 1 : i32
        %add3A_615 = arith.addi %mul3A_613, %add3A_614 : i32
        %dma_start3A_616 = arith.constant 3 : i32
        %dma_start3A_617 = arith.constant 1 : i32
        %dma_start3A_618 = arith.constant 0 : i32
        %dma_start3A_619 = arith.constant 0 : i32
        %dma_start3A_620 = tpu.memref_slice %arg6[%dma_start3A_616, %dma_start3A_617, %dma_start3A_618, %dma_start3A_619] : memref<5x2x128x64xf32, #tpu.memory_space<vmem>> -> memref<1x1x128x64xf32, #tpu.memory_space<vmem>>
        %dma_start3A_621 = tpu.memref_squeeze %dma_start3A_620 : memref<1x1x128x64xf32, #tpu.memory_space<vmem>> -> memref<128x64xf32, #tpu.memory_space<vmem>>
        %dma_start3A_622 = arith.constant 0 : i32
        %dma_start3A_623 = tpu.memref_slice %arg5[%add3A_615, %dma_start3A_622] : memref<200x128xi32, #tpu.memory_space<vmem>> -> memref<1x128xi32, #tpu.memory_space<vmem>>
        %dma_start3A_624 = tpu.memref_squeeze %dma_start3A_623 : memref<1x128xi32, #tpu.memory_space<vmem>> -> memref<128xi32, #tpu.memory_space<vmem>>
        %dma_start3A_625 = arith.constant 0 : i32
        %dma_start3A_626 = arith.constant 0 : i32
        %dma_start3A_627 = tpu.memref_slice %arg2[%dma_start3A_625, %dma_start3A_626] : memref<1000000x64xf32, #tpu.memory_space<hbm>> -> memref<1000000x64xf32, #tpu.memory_space<hbm>>
        tpu.enqueue_indirect_dma source(%dma_start3A_627 : memref<1000000x64xf32, #tpu.memory_space<hbm>>) target(%dma_start3A_621 : memref<128x64xf32, #tpu.memory_space<vmem>>) offsets(%dma_start3A_624 : memref<128xi32, #tpu.memory_space<vmem>>) semaphore(%arg7 : memref<!tpu.dma_semaphore, #tpu.memory_space<semaphore_mem>>)
      } else {
      }
      %add3A_330 = arith.constant 2 : i32
      %add3A_331 = arith.addi %add3A_157, %add3A_330 : i32
      %mul3A_332 = arith.constant 2 : i32
      %mul3A_333 = arith.muli %add3A_331, %mul3A_332 : i32
      %add3A_334 = arith.constant 0 : i32
      %add3A_335 = arith.addi %mul3A_333, %add3A_334 : i32
      %dma_wait3A_336 = arith.constant 2 : i32
      %dma_wait3A_337 = arith.constant 0 : i32
      %dma_wait3A_338 = arith.constant 0 : i32
      %dma_wait3A_339 = arith.constant 0 : i32
      %dma_wait3A_340 = tpu.memref_slice %arg6[%dma_wait3A_336, %dma_wait3A_337, %dma_wait3A_338, %dma_wait3A_339] : memref<5x2x128x64xf32, #tpu.memory_space<vmem>> -> memref<1x1x128x64xf32, #tpu.memory_space<vmem>>
      %dma_wait3A_341 = tpu.memref_squeeze %dma_wait3A_340 : memref<1x1x128x64xf32, #tpu.memory_space<vmem>> -> memref<128x64xf32, #tpu.memory_space<vmem>>
      %dma_wait3A_342 = arith.constant 0 : i32
      %dma_wait3A_343 = tpu.memref_slice %arg5[%add3A_335, %dma_wait3A_342] : memref<200x128xi32, #tpu.memory_space<vmem>> -> memref<1x128xi32, #tpu.memory_space<vmem>>
      %dma_wait3A_344 = tpu.memref_squeeze %dma_wait3A_343 : memref<1x128xi32, #tpu.memory_space<vmem>> -> memref<128xi32, #tpu.memory_space<vmem>>
      %dma_wait3A_345 = arith.constant 0 : i32
      %dma_wait3A_346 = arith.constant 0 : i32
      %dma_wait3A_347 = tpu.memref_slice %arg2[%dma_wait3A_345, %dma_wait3A_346] : memref<1000000x64xf32, #tpu.memory_space<hbm>> -> memref<1000000x64xf32, #tpu.memory_space<hbm>>
      tpu.wait_indirect_dma semaphore(%arg7 : memref<!tpu.dma_semaphore, #tpu.memory_space<semaphore_mem>>) src(%dma_wait3A_347 : memref<1000000x64xf32, #tpu.memory_space<hbm>>) dst(%dma_wait3A_341 : memref<128x64xf32, #tpu.memory_space<vmem>>)
      %mul3A_348 = arith.constant 2 : i32
      %mul3A_349 = arith.muli %add3A_331, %mul3A_348 : i32
      %add3A_350 = arith.constant 1 : i32
      %add3A_351 = arith.addi %mul3A_349, %add3A_350 : i32
      %dma_wait3A_352 = arith.constant 2 : i32
      %dma_wait3A_353 = arith.constant 1 : i32
      %dma_wait3A_354 = arith.constant 0 : i32
      %dma_wait3A_355 = arith.constant 0 : i32
      %dma_wait3A_356 = tpu.memref_slice %arg6[%dma_wait3A_352, %dma_wait3A_353, %dma_wait3A_354, %dma_wait3A_355] : memref<5x2x128x64xf32, #tpu.memory_space<vmem>> -> memref<1x1x128x64xf32, #tpu.memory_space<vmem>>
      %dma_wait3A_357 = tpu.memref_squeeze %dma_wait3A_356 : memref<1x1x128x64xf32, #tpu.memory_space<vmem>> -> memref<128x64xf32, #tpu.memory_space<vmem>>
      %dma_wait3A_358 = arith.constant 0 : i32
      %dma_wait3A_359 = tpu.memref_slice %arg5[%add3A_351, %dma_wait3A_358] : memref<200x128xi32, #tpu.memory_space<vmem>> -> memref<1x128xi32, #tpu.memory_space<vmem>>
      %dma_wait3A_360 = tpu.memref_squeeze %dma_wait3A_359 : memref<1x128xi32, #tpu.memory_space<vmem>> -> memref<128xi32, #tpu.memory_space<vmem>>
      %dma_wait3A_361 = arith.constant 0 : i32
      %dma_wait3A_362 = arith.constant 0 : i32
      %dma_wait3A_363 = tpu.memref_slice %arg2[%dma_wait3A_361, %dma_wait3A_362] : memref<1000000x64xf32, #tpu.memory_space<hbm>> -> memref<1000000x64xf32, #tpu.memory_space<hbm>>
      tpu.wait_indirect_dma semaphore(%arg7 : memref<!tpu.dma_semaphore, #tpu.memory_space<semaphore_mem>>) src(%dma_wait3A_363 : memref<1000000x64xf32, #tpu.memory_space<hbm>>) dst(%dma_wait3A_357 : memref<128x64xf32, #tpu.memory_space<vmem>>)
      %mul3A_364 = arith.constant 2 : i32
      %mul3A_365 = arith.muli %add3A_331, %mul3A_364 : i32
      %add3A_366 = arith.constant 0 : i32
      %add3A_367 = arith.addi %mul3A_365, %add3A_366 : i32
      %mul3A_368 = arith.constant 128 : i32
      %mul3A_369 = arith.muli %add3A_367, %mul3A_368 : i32
      %add3A_370 = arith.addi %mul3A_2, %mul3A_369 : i32
      %dma_start3A_371 = arith.constant 2 : i32
      %dma_start3A_372 = arith.constant 0 : i32
      %dma_start3A_373 = arith.constant 0 : i32
      %dma_start3A_374 = arith.constant 0 : i32
      %dma_start3A_375 = tpu.memref_slice %arg6[%dma_start3A_371, %dma_start3A_372, %dma_start3A_373, %dma_start3A_374] : memref<5x2x128x64xf32, #tpu.memory_space<vmem>> -> memref<1x1x128x64xf32, #tpu.memory_space<vmem>>
      %dma_start3A_376 = tpu.memref_squeeze %dma_start3A_375 : memref<1x1x128x64xf32, #tpu.memory_space<vmem>> -> memref<128x64xf32, #tpu.memory_space<vmem>>
      %dma_start3A_377 = arith.constant 0 : i32
      %dma_start3A_378 = tpu.memref_slice %arg4[%add3A_370, %dma_start3A_377] : memref<819200x64xf32, #tpu.memory_space<hbm>> -> memref<128x64xf32, #tpu.memory_space<hbm>>
      %dma_start3A_379 = arith.constant 0 : i32
      %dma_start3A_380 = tpu.memref_slice %arg4[%add3A_370, %dma_start3A_379] : memref<819200x64xf32, #tpu.memory_space<hbm>> -> memref<128x64xf32, #tpu.memory_space<hbm>>
      %dma_start3A_381 = arith.constant 0 : i32
      %dma_start3A_382 = arith.constant 0 : i32
      %dma_start3A_383 = tpu.memref_slice %arg6[%dma_start3A_371, %dma_start3A_372, %dma_start3A_381, %dma_start3A_382] : memref<5x2x128x64xf32, #tpu.memory_space<vmem>> -> memref<1x1x128x64xf32, #tpu.memory_space<vmem>>
      %dma_start3A_384 = tpu.memref_squeeze %dma_start3A_383 : memref<1x1x128x64xf32, #tpu.memory_space<vmem>> -> memref<128x64xf32, #tpu.memory_space<vmem>>
      tpu.enqueue_dma source(%dma_start3A_384 : memref<128x64xf32, #tpu.memory_space<vmem>>) target(%dma_start3A_380 : memref<128x64xf32, #tpu.memory_space<hbm>>) target_semaphore(%arg8 : memref<!tpu.dma_semaphore, #tpu.memory_space<semaphore_mem>>)
      %mul3A_385 = arith.constant 2 : i32
      %mul3A_386 = arith.muli %add3A_331, %mul3A_385 : i32
      %add3A_387 = arith.constant 1 : i32
      %add3A_388 = arith.addi %mul3A_386, %add3A_387 : i32
      %mul3A_389 = arith.constant 128 : i32
      %mul3A_390 = arith.muli %add3A_388, %mul3A_389 : i32
      %add3A_391 = arith.addi %mul3A_2, %mul3A_390 : i32
      %dma_start3A_392 = arith.constant 2 : i32
      %dma_start3A_393 = arith.constant 1 : i32
      %dma_start3A_394 = arith.constant 0 : i32
      %dma_start3A_395 = arith.constant 0 : i32
      %dma_start3A_396 = tpu.memref_slice %arg6[%dma_start3A_392, %dma_start3A_393, %dma_start3A_394, %dma_start3A_395] : memref<5x2x128x64xf32, #tpu.memory_space<vmem>> -> memref<1x1x128x64xf32, #tpu.memory_space<vmem>>
      %dma_start3A_397 = tpu.memref_squeeze %dma_start3A_396 : memref<1x1x128x64xf32, #tpu.memory_space<vmem>> -> memref<128x64xf32, #tpu.memory_space<vmem>>
      %dma_start3A_398 = arith.constant 0 : i32
      %dma_start3A_399 = tpu.memref_slice %arg4[%add3A_391, %dma_start3A_398] : memref<819200x64xf32, #tpu.memory_space<hbm>> -> memref<128x64xf32, #tpu.memory_space<hbm>>
      %dma_start3A_400 = arith.constant 0 : i32
      %dma_start3A_401 = tpu.memref_slice %arg4[%add3A_391, %dma_start3A_400] : memref<819200x64xf32, #tpu.memory_space<hbm>> -> memref<128x64xf32, #tpu.memory_space<hbm>>
      %dma_start3A_402 = arith.constant 0 : i32
      %dma_start3A_403 = arith.constant 0 : i32
      %dma_start3A_404 = tpu.memref_slice %arg6[%dma_start3A_392, %dma_start3A_393, %dma_start3A_402, %dma_start3A_403] : memref<5x2x128x64xf32, #tpu.memory_space<vmem>> -> memref<1x1x128x64xf32, #tpu.memory_space<vmem>>
      %dma_start3A_405 = tpu.memref_squeeze %dma_start3A_404 : memref<1x1x128x64xf32, #tpu.memory_space<vmem>> -> memref<128x64xf32, #tpu.memory_space<vmem>>
      tpu.enqueue_dma source(%dma_start3A_405 : memref<128x64xf32, #tpu.memory_space<vmem>>) target(%dma_start3A_401 : memref<128x64xf32, #tpu.memory_space<hbm>>) target_semaphore(%arg8 : memref<!tpu.dma_semaphore, #tpu.memory_space<semaphore_mem>>)
      %ge3A_406 = arith.constant 3 : i32
      %ge3A_407 = arith.cmpi sge, %add3A_331, %ge3A_406 : i32
      %convert_element_type3A_408 = arith.extui %ge3A_407 : i1 to i32
      %cond3A_409 = arith.constant 0 : i32
      %cond3A_410 = arith.cmpi ne, %convert_element_type3A_408, %cond3A_409 : i32
      scf.if %cond3A_410 {
        %sub3A = arith.constant 3 : i32
        %sub3A_594 = arith.subi %add3A_331, %sub3A : i32
        %mul3A_595 = arith.constant 2 : i32
        %mul3A_596 = arith.muli %sub3A_594, %mul3A_595 : i32
        %add3A_597 = arith.constant 0 : i32
        %add3A_598 = arith.addi %mul3A_596, %add3A_597 : i32
        %mul3A_599 = arith.constant 128 : i32
        %mul3A_600 = arith.muli %add3A_598, %mul3A_599 : i32
        %add3A_601 = arith.addi %mul3A_2, %mul3A_600 : i32
        %dma_wait3A_602 = arith.constant 4 : i32
        %dma_wait3A_603 = arith.constant 0 : i32
        %dma_wait3A_604 = arith.constant 0 : i32
        %dma_wait3A_605 = arith.constant 0 : i32
        %dma_wait3A_606 = tpu.memref_slice %arg6[%dma_wait3A_602, %dma_wait3A_603, %dma_wait3A_604, %dma_wait3A_605] : memref<5x2x128x64xf32, #tpu.memory_space<vmem>> -> memref<1x1x128x64xf32, #tpu.memory_space<vmem>>
        %dma_wait3A_607 = tpu.memref_squeeze %dma_wait3A_606 : memref<1x1x128x64xf32, #tpu.memory_space<vmem>> -> memref<128x64xf32, #tpu.memory_space<vmem>>
        %dma_wait3A_608 = arith.constant 0 : i32
        %dma_wait3A_609 = tpu.memref_slice %arg4[%add3A_601, %dma_wait3A_608] : memref<819200x64xf32, #tpu.memory_space<hbm>> -> memref<128x64xf32, #tpu.memory_space<hbm>>
        %dma_wait3A_610 = arith.constant 0 : i32
        %dma_wait3A_611 = tpu.memref_slice %arg4[%add3A_601, %dma_wait3A_610] : memref<819200x64xf32, #tpu.memory_space<hbm>> -> memref<128x64xf32, #tpu.memory_space<hbm>>
        %dma_wait3A_612 = arith.constant 0 : i32
        %dma_wait3A_613 = arith.constant 0 : i32
        %dma_wait3A_614 = tpu.memref_slice %arg6[%dma_wait3A_602, %dma_wait3A_603, %dma_wait3A_612, %dma_wait3A_613] : memref<5x2x128x64xf32, #tpu.memory_space<vmem>> -> memref<1x1x128x64xf32, #tpu.memory_space<vmem>>
        %dma_wait3A_615 = tpu.memref_squeeze %dma_wait3A_614 : memref<1x1x128x64xf32, #tpu.memory_space<vmem>> -> memref<128x64xf32, #tpu.memory_space<vmem>>
        tpu.wait_dma2 semaphore(%arg8 : memref<!tpu.dma_semaphore, #tpu.memory_space<semaphore_mem>>) src(%dma_wait3A_615 : memref<128x64xf32, #tpu.memory_space<vmem>>) dst(%dma_wait3A_611 : memref<128x64xf32, #tpu.memory_space<hbm>>)
        %sub3A_616 = arith.constant 3 : i32
        %sub3A_617 = arith.subi %add3A_331, %sub3A_616 : i32
        %mul3A_618 = arith.constant 2 : i32
        %mul3A_619 = arith.muli %sub3A_617, %mul3A_618 : i32
        %add3A_620 = arith.constant 1 : i32
        %add3A_621 = arith.addi %mul3A_619, %add3A_620 : i32
        %mul3A_622 = arith.constant 128 : i32
        %mul3A_623 = arith.muli %add3A_621, %mul3A_622 : i32
        %add3A_624 = arith.addi %mul3A_2, %mul3A_623 : i32
        %dma_wait3A_625 = arith.constant 4 : i32
        %dma_wait3A_626 = arith.constant 1 : i32
        %dma_wait3A_627 = arith.constant 0 : i32
        %dma_wait3A_628 = arith.constant 0 : i32
        %dma_wait3A_629 = tpu.memref_slice %arg6[%dma_wait3A_625, %dma_wait3A_626, %dma_wait3A_627, %dma_wait3A_628] : memref<5x2x128x64xf32, #tpu.memory_space<vmem>> -> memref<1x1x128x64xf32, #tpu.memory_space<vmem>>
        %dma_wait3A_630 = tpu.memref_squeeze %dma_wait3A_629 : memref<1x1x128x64xf32, #tpu.memory_space<vmem>> -> memref<128x64xf32, #tpu.memory_space<vmem>>
        %dma_wait3A_631 = arith.constant 0 : i32
        %dma_wait3A_632 = tpu.memref_slice %arg4[%add3A_624, %dma_wait3A_631] : memref<819200x64xf32, #tpu.memory_space<hbm>> -> memref<128x64xf32, #tpu.memory_space<hbm>>
        %dma_wait3A_633 = arith.constant 0 : i32
        %dma_wait3A_634 = tpu.memref_slice %arg4[%add3A_624, %dma_wait3A_633] : memref<819200x64xf32, #tpu.memory_space<hbm>> -> memref<128x64xf32, #tpu.memory_space<hbm>>
        %dma_wait3A_635 = arith.constant 0 : i32
        %dma_wait3A_636 = arith.constant 0 : i32
        %dma_wait3A_637 = tpu.memref_slice %arg6[%dma_wait3A_625, %dma_wait3A_626, %dma_wait3A_635, %dma_wait3A_636] : memref<5x2x128x64xf32, #tpu.memory_space<vmem>> -> memref<1x1x128x64xf32, #tpu.memory_space<vmem>>
        %dma_wait3A_638 = tpu.memref_squeeze %dma_wait3A_637 : memref<1x1x128x64xf32, #tpu.memory_space<vmem>> -> memref<128x64xf32, #tpu.memory_space<vmem>>
        tpu.wait_dma2 semaphore(%arg8 : memref<!tpu.dma_semaphore, #tpu.memory_space<semaphore_mem>>) src(%dma_wait3A_638 : memref<128x64xf32, #tpu.memory_space<vmem>>) dst(%dma_wait3A_634 : memref<128x64xf32, #tpu.memory_space<hbm>>)
      } else {
      }
      %add3A_411 = arith.constant 2 : i32
      %add3A_412 = arith.addi %add3A_331, %add3A_411 : i32
      %lt3A_413 = arith.constant 100 : i32
      %lt3A_414 = arith.cmpi slt, %add3A_412, %lt3A_413 : i32
      %convert_element_type3A_415 = arith.extui %lt3A_414 : i1 to i32
      %cond3A_416 = arith.constant 0 : i32
      %cond3A_417 = arith.cmpi ne, %convert_element_type3A_415, %cond3A_416 : i32
      scf.if %cond3A_417 {
        %add3A_594 = arith.constant 2 : i32
        %add3A_595 = arith.addi %add3A_331, %add3A_594 : i32
        %mul3A_596 = arith.constant 2 : i32
        %mul3A_597 = arith.muli %add3A_595, %mul3A_596 : i32
        %add3A_598 = arith.constant 0 : i32
        %add3A_599 = arith.addi %mul3A_597, %add3A_598 : i32
        %dma_start3A_600 = arith.constant 4 : i32
        %dma_start3A_601 = arith.constant 0 : i32
        %dma_start3A_602 = arith.constant 0 : i32
        %dma_start3A_603 = arith.constant 0 : i32
        %dma_start3A_604 = tpu.memref_slice %arg6[%dma_start3A_600, %dma_start3A_601, %dma_start3A_602, %dma_start3A_603] : memref<5x2x128x64xf32, #tpu.memory_space<vmem>> -> memref<1x1x128x64xf32, #tpu.memory_space<vmem>>
        %dma_start3A_605 = tpu.memref_squeeze %dma_start3A_604 : memref<1x1x128x64xf32, #tpu.memory_space<vmem>> -> memref<128x64xf32, #tpu.memory_space<vmem>>
        %dma_start3A_606 = arith.constant 0 : i32
        %dma_start3A_607 = tpu.memref_slice %arg5[%add3A_599, %dma_start3A_606] : memref<200x128xi32, #tpu.memory_space<vmem>> -> memref<1x128xi32, #tpu.memory_space<vmem>>
        %dma_start3A_608 = tpu.memref_squeeze %dma_start3A_607 : memref<1x128xi32, #tpu.memory_space<vmem>> -> memref<128xi32, #tpu.memory_space<vmem>>
        %dma_start3A_609 = arith.constant 0 : i32
        %dma_start3A_610 = arith.constant 0 : i32
        %dma_start3A_611 = tpu.memref_slice %arg2[%dma_start3A_609, %dma_start3A_610] : memref<1000000x64xf32, #tpu.memory_space<hbm>> -> memref<1000000x64xf32, #tpu.memory_space<hbm>>
        tpu.enqueue_indirect_dma source(%dma_start3A_611 : memref<1000000x64xf32, #tpu.memory_space<hbm>>) target(%dma_start3A_605 : memref<128x64xf32, #tpu.memory_space<vmem>>) offsets(%dma_start3A_608 : memref<128xi32, #tpu.memory_space<vmem>>) semaphore(%arg7 : memref<!tpu.dma_semaphore, #tpu.memory_space<semaphore_mem>>)
        %mul3A_612 = arith.constant 2 : i32
        %mul3A_613 = arith.muli %add3A_595, %mul3A_612 : i32
        %add3A_614 = arith.constant 1 : i32
        %add3A_615 = arith.addi %mul3A_613, %add3A_614 : i32
        %dma_start3A_616 = arith.constant 4 : i32
        %dma_start3A_617 = arith.constant 1 : i32
        %dma_start3A_618 = arith.constant 0 : i32
        %dma_start3A_619 = arith.constant 0 : i32
        %dma_start3A_620 = tpu.memref_slice %arg6[%dma_start3A_616, %dma_start3A_617, %dma_start3A_618, %dma_start3A_619] : memref<5x2x128x64xf32, #tpu.memory_space<vmem>> -> memref<1x1x128x64xf32, #tpu.memory_space<vmem>>
        %dma_start3A_621 = tpu.memref_squeeze %dma_start3A_620 : memref<1x1x128x64xf32, #tpu.memory_space<vmem>> -> memref<128x64xf32, #tpu.memory_space<vmem>>
        %dma_start3A_622 = arith.constant 0 : i32
        %dma_start3A_623 = tpu.memref_slice %arg5[%add3A_615, %dma_start3A_622] : memref<200x128xi32, #tpu.memory_space<vmem>> -> memref<1x128xi32, #tpu.memory_space<vmem>>
        %dma_start3A_624 = tpu.memref_squeeze %dma_start3A_623 : memref<1x128xi32, #tpu.memory_space<vmem>> -> memref<128xi32, #tpu.memory_space<vmem>>
        %dma_start3A_625 = arith.constant 0 : i32
        %dma_start3A_626 = arith.constant 0 : i32
        %dma_start3A_627 = tpu.memref_slice %arg2[%dma_start3A_625, %dma_start3A_626] : memref<1000000x64xf32, #tpu.memory_space<hbm>> -> memref<1000000x64xf32, #tpu.memory_space<hbm>>
        tpu.enqueue_indirect_dma source(%dma_start3A_627 : memref<1000000x64xf32, #tpu.memory_space<hbm>>) target(%dma_start3A_621 : memref<128x64xf32, #tpu.memory_space<vmem>>) offsets(%dma_start3A_624 : memref<128xi32, #tpu.memory_space<vmem>>) semaphore(%arg7 : memref<!tpu.dma_semaphore, #tpu.memory_space<semaphore_mem>>)
      } else {
      }
      %add3A_418 = arith.constant 3 : i32
      %add3A_419 = arith.addi %add3A_157, %add3A_418 : i32
      %mul3A_420 = arith.constant 2 : i32
      %mul3A_421 = arith.muli %add3A_419, %mul3A_420 : i32
      %add3A_422 = arith.constant 0 : i32
      %add3A_423 = arith.addi %mul3A_421, %add3A_422 : i32
      %dma_wait3A_424 = arith.constant 3 : i32
      %dma_wait3A_425 = arith.constant 0 : i32
      %dma_wait3A_426 = arith.constant 0 : i32
      %dma_wait3A_427 = arith.constant 0 : i32
      %dma_wait3A_428 = tpu.memref_slice %arg6[%dma_wait3A_424, %dma_wait3A_425, %dma_wait3A_426, %dma_wait3A_427] : memref<5x2x128x64xf32, #tpu.memory_space<vmem>> -> memref<1x1x128x64xf32, #tpu.memory_space<vmem>>
      %dma_wait3A_429 = tpu.memref_squeeze %dma_wait3A_428 : memref<1x1x128x64xf32, #tpu.memory_space<vmem>> -> memref<128x64xf32, #tpu.memory_space<vmem>>
      %dma_wait3A_430 = arith.constant 0 : i32
      %dma_wait3A_431 = tpu.memref_slice %arg5[%add3A_423, %dma_wait3A_430] : memref<200x128xi32, #tpu.memory_space<vmem>> -> memref<1x128xi32, #tpu.memory_space<vmem>>
      %dma_wait3A_432 = tpu.memref_squeeze %dma_wait3A_431 : memref<1x128xi32, #tpu.memory_space<vmem>> -> memref<128xi32, #tpu.memory_space<vmem>>
      %dma_wait3A_433 = arith.constant 0 : i32
      %dma_wait3A_434 = arith.constant 0 : i32
      %dma_wait3A_435 = tpu.memref_slice %arg2[%dma_wait3A_433, %dma_wait3A_434] : memref<1000000x64xf32, #tpu.memory_space<hbm>> -> memref<1000000x64xf32, #tpu.memory_space<hbm>>
      tpu.wait_indirect_dma semaphore(%arg7 : memref<!tpu.dma_semaphore, #tpu.memory_space<semaphore_mem>>) src(%dma_wait3A_435 : memref<1000000x64xf32, #tpu.memory_space<hbm>>) dst(%dma_wait3A_429 : memref<128x64xf32, #tpu.memory_space<vmem>>)
      %mul3A_436 = arith.constant 2 : i32
      %mul3A_437 = arith.muli %add3A_419, %mul3A_436 : i32
      %add3A_438 = arith.constant 1 : i32
      %add3A_439 = arith.addi %mul3A_437, %add3A_438 : i32
      %dma_wait3A_440 = arith.constant 3 : i32
      %dma_wait3A_441 = arith.constant 1 : i32
      %dma_wait3A_442 = arith.constant 0 : i32
      %dma_wait3A_443 = arith.constant 0 : i32
      %dma_wait3A_444 = tpu.memref_slice %arg6[%dma_wait3A_440, %dma_wait3A_441, %dma_wait3A_442, %dma_wait3A_443] : memref<5x2x128x64xf32, #tpu.memory_space<vmem>> -> memref<1x1x128x64xf32, #tpu.memory_space<vmem>>
      %dma_wait3A_445 = tpu.memref_squeeze %dma_wait3A_444 : memref<1x1x128x64xf32, #tpu.memory_space<vmem>> -> memref<128x64xf32, #tpu.memory_space<vmem>>
      %dma_wait3A_446 = arith.constant 0 : i32
      %dma_wait3A_447 = tpu.memref_slice %arg5[%add3A_439, %dma_wait3A_446] : memref<200x128xi32, #tpu.memory_space<vmem>> -> memref<1x128xi32, #tpu.memory_space<vmem>>
      %dma_wait3A_448 = tpu.memref_squeeze %dma_wait3A_447 : memref<1x128xi32, #tpu.memory_space<vmem>> -> memref<128xi32, #tpu.memory_space<vmem>>
      %dma_wait3A_449 = arith.constant 0 : i32
      %dma_wait3A_450 = arith.constant 0 : i32
      %dma_wait3A_451 = tpu.memref_slice %arg2[%dma_wait3A_449, %dma_wait3A_450] : memref<1000000x64xf32, #tpu.memory_space<hbm>> -> memref<1000000x64xf32, #tpu.memory_space<hbm>>
      tpu.wait_indirect_dma semaphore(%arg7 : memref<!tpu.dma_semaphore, #tpu.memory_space<semaphore_mem>>) src(%dma_wait3A_451 : memref<1000000x64xf32, #tpu.memory_space<hbm>>) dst(%dma_wait3A_445 : memref<128x64xf32, #tpu.memory_space<vmem>>)
      %mul3A_452 = arith.constant 2 : i32
      %mul3A_453 = arith.muli %add3A_419, %mul3A_452 : i32
      %add3A_454 = arith.constant 0 : i32
      %add3A_455 = arith.addi %mul3A_453, %add3A_454 : i32
      %mul3A_456 = arith.constant 128 : i32
      %mul3A_457 = arith.muli %add3A_455, %mul3A_456 : i32
      %add3A_458 = arith.addi %mul3A_2, %mul3A_457 : i32
      %dma_start3A_459 = arith.constant 3 : i32
      %dma_start3A_460 = arith.constant 0 : i32
      %dma_start3A_461 = arith.constant 0 : i32
      %dma_start3A_462 = arith.constant 0 : i32
      %dma_start3A_463 = tpu.memref_slice %arg6[%dma_start3A_459, %dma_start3A_460, %dma_start3A_461, %dma_start3A_462] : memref<5x2x128x64xf32, #tpu.memory_space<vmem>> -> memref<1x1x128x64xf32, #tpu.memory_space<vmem>>
      %dma_start3A_464 = tpu.memref_squeeze %dma_start3A_463 : memref<1x1x128x64xf32, #tpu.memory_space<vmem>> -> memref<128x64xf32, #tpu.memory_space<vmem>>
      %dma_start3A_465 = arith.constant 0 : i32
      %dma_start3A_466 = tpu.memref_slice %arg4[%add3A_458, %dma_start3A_465] : memref<819200x64xf32, #tpu.memory_space<hbm>> -> memref<128x64xf32, #tpu.memory_space<hbm>>
      %dma_start3A_467 = arith.constant 0 : i32
      %dma_start3A_468 = tpu.memref_slice %arg4[%add3A_458, %dma_start3A_467] : memref<819200x64xf32, #tpu.memory_space<hbm>> -> memref<128x64xf32, #tpu.memory_space<hbm>>
      %dma_start3A_469 = arith.constant 0 : i32
      %dma_start3A_470 = arith.constant 0 : i32
      %dma_start3A_471 = tpu.memref_slice %arg6[%dma_start3A_459, %dma_start3A_460, %dma_start3A_469, %dma_start3A_470] : memref<5x2x128x64xf32, #tpu.memory_space<vmem>> -> memref<1x1x128x64xf32, #tpu.memory_space<vmem>>
      %dma_start3A_472 = tpu.memref_squeeze %dma_start3A_471 : memref<1x1x128x64xf32, #tpu.memory_space<vmem>> -> memref<128x64xf32, #tpu.memory_space<vmem>>
      tpu.enqueue_dma source(%dma_start3A_472 : memref<128x64xf32, #tpu.memory_space<vmem>>) target(%dma_start3A_468 : memref<128x64xf32, #tpu.memory_space<hbm>>) target_semaphore(%arg8 : memref<!tpu.dma_semaphore, #tpu.memory_space<semaphore_mem>>)
      %mul3A_473 = arith.constant 2 : i32
      %mul3A_474 = arith.muli %add3A_419, %mul3A_473 : i32
      %add3A_475 = arith.constant 1 : i32
      %add3A_476 = arith.addi %mul3A_474, %add3A_475 : i32
      %mul3A_477 = arith.constant 128 : i32
      %mul3A_478 = arith.muli %add3A_476, %mul3A_477 : i32
      %add3A_479 = arith.addi %mul3A_2, %mul3A_478 : i32
      %dma_start3A_480 = arith.constant 3 : i32
      %dma_start3A_481 = arith.constant 1 : i32
      %dma_start3A_482 = arith.constant 0 : i32
      %dma_start3A_483 = arith.constant 0 : i32
      %dma_start3A_484 = tpu.memref_slice %arg6[%dma_start3A_480, %dma_start3A_481, %dma_start3A_482, %dma_start3A_483] : memref<5x2x128x64xf32, #tpu.memory_space<vmem>> -> memref<1x1x128x64xf32, #tpu.memory_space<vmem>>
      %dma_start3A_485 = tpu.memref_squeeze %dma_start3A_484 : memref<1x1x128x64xf32, #tpu.memory_space<vmem>> -> memref<128x64xf32, #tpu.memory_space<vmem>>
      %dma_start3A_486 = arith.constant 0 : i32
      %dma_start3A_487 = tpu.memref_slice %arg4[%add3A_479, %dma_start3A_486] : memref<819200x64xf32, #tpu.memory_space<hbm>> -> memref<128x64xf32, #tpu.memory_space<hbm>>
      %dma_start3A_488 = arith.constant 0 : i32
      %dma_start3A_489 = tpu.memref_slice %arg4[%add3A_479, %dma_start3A_488] : memref<819200x64xf32, #tpu.memory_space<hbm>> -> memref<128x64xf32, #tpu.memory_space<hbm>>
      %dma_start3A_490 = arith.constant 0 : i32
      %dma_start3A_491 = arith.constant 0 : i32
      %dma_start3A_492 = tpu.memref_slice %arg6[%dma_start3A_480, %dma_start3A_481, %dma_start3A_490, %dma_start3A_491] : memref<5x2x128x64xf32, #tpu.memory_space<vmem>> -> memref<1x1x128x64xf32, #tpu.memory_space<vmem>>
      %dma_start3A_493 = tpu.memref_squeeze %dma_start3A_492 : memref<1x1x128x64xf32, #tpu.memory_space<vmem>> -> memref<128x64xf32, #tpu.memory_space<vmem>>
      tpu.enqueue_dma source(%dma_start3A_493 : memref<128x64xf32, #tpu.memory_space<vmem>>) target(%dma_start3A_489 : memref<128x64xf32, #tpu.memory_space<hbm>>) target_semaphore(%arg8 : memref<!tpu.dma_semaphore, #tpu.memory_space<semaphore_mem>>)
      %ge3A_494 = arith.constant 3 : i32
      %ge3A_495 = arith.cmpi sge, %add3A_419, %ge3A_494 : i32
      %convert_element_type3A_496 = arith.extui %ge3A_495 : i1 to i32
      %cond3A_497 = arith.constant 0 : i32
      %cond3A_498 = arith.cmpi ne, %convert_element_type3A_496, %cond3A_497 : i32
      scf.if %cond3A_498 {
        %sub3A = arith.constant 3 : i32
        %sub3A_594 = arith.subi %add3A_419, %sub3A : i32
        %mul3A_595 = arith.constant 2 : i32
        %mul3A_596 = arith.muli %sub3A_594, %mul3A_595 : i32
        %add3A_597 = arith.constant 0 : i32
        %add3A_598 = arith.addi %mul3A_596, %add3A_597 : i32
        %mul3A_599 = arith.constant 128 : i32
        %mul3A_600 = arith.muli %add3A_598, %mul3A_599 : i32
        %add3A_601 = arith.addi %mul3A_2, %mul3A_600 : i32
        %dma_wait3A_602 = arith.constant 0 : i32
        %dma_wait3A_603 = arith.constant 0 : i32
        %dma_wait3A_604 = arith.constant 0 : i32
        %dma_wait3A_605 = arith.constant 0 : i32
        %dma_wait3A_606 = tpu.memref_slice %arg6[%dma_wait3A_602, %dma_wait3A_603, %dma_wait3A_604, %dma_wait3A_605] : memref<5x2x128x64xf32, #tpu.memory_space<vmem>> -> memref<1x1x128x64xf32, #tpu.memory_space<vmem>>
        %dma_wait3A_607 = tpu.memref_squeeze %dma_wait3A_606 : memref<1x1x128x64xf32, #tpu.memory_space<vmem>> -> memref<128x64xf32, #tpu.memory_space<vmem>>
        %dma_wait3A_608 = arith.constant 0 : i32
        %dma_wait3A_609 = tpu.memref_slice %arg4[%add3A_601, %dma_wait3A_608] : memref<819200x64xf32, #tpu.memory_space<hbm>> -> memref<128x64xf32, #tpu.memory_space<hbm>>
        %dma_wait3A_610 = arith.constant 0 : i32
        %dma_wait3A_611 = tpu.memref_slice %arg4[%add3A_601, %dma_wait3A_610] : memref<819200x64xf32, #tpu.memory_space<hbm>> -> memref<128x64xf32, #tpu.memory_space<hbm>>
        %dma_wait3A_612 = arith.constant 0 : i32
        %dma_wait3A_613 = arith.constant 0 : i32
        %dma_wait3A_614 = tpu.memref_slice %arg6[%dma_wait3A_602, %dma_wait3A_603, %dma_wait3A_612, %dma_wait3A_613] : memref<5x2x128x64xf32, #tpu.memory_space<vmem>> -> memref<1x1x128x64xf32, #tpu.memory_space<vmem>>
        %dma_wait3A_615 = tpu.memref_squeeze %dma_wait3A_614 : memref<1x1x128x64xf32, #tpu.memory_space<vmem>> -> memref<128x64xf32, #tpu.memory_space<vmem>>
        tpu.wait_dma2 semaphore(%arg8 : memref<!tpu.dma_semaphore, #tpu.memory_space<semaphore_mem>>) src(%dma_wait3A_615 : memref<128x64xf32, #tpu.memory_space<vmem>>) dst(%dma_wait3A_611 : memref<128x64xf32, #tpu.memory_space<hbm>>)
        %sub3A_616 = arith.constant 3 : i32
        %sub3A_617 = arith.subi %add3A_419, %sub3A_616 : i32
        %mul3A_618 = arith.constant 2 : i32
        %mul3A_619 = arith.muli %sub3A_617, %mul3A_618 : i32
        %add3A_620 = arith.constant 1 : i32
        %add3A_621 = arith.addi %mul3A_619, %add3A_620 : i32
        %mul3A_622 = arith.constant 128 : i32
        %mul3A_623 = arith.muli %add3A_621, %mul3A_622 : i32
        %add3A_624 = arith.addi %mul3A_2, %mul3A_623 : i32
        %dma_wait3A_625 = arith.constant 0 : i32
        %dma_wait3A_626 = arith.constant 1 : i32
        %dma_wait3A_627 = arith.constant 0 : i32
        %dma_wait3A_628 = arith.constant 0 : i32
        %dma_wait3A_629 = tpu.memref_slice %arg6[%dma_wait3A_625, %dma_wait3A_626, %dma_wait3A_627, %dma_wait3A_628] : memref<5x2x128x64xf32, #tpu.memory_space<vmem>> -> memref<1x1x128x64xf32, #tpu.memory_space<vmem>>
        %dma_wait3A_630 = tpu.memref_squeeze %dma_wait3A_629 : memref<1x1x128x64xf32, #tpu.memory_space<vmem>> -> memref<128x64xf32, #tpu.memory_space<vmem>>
        %dma_wait3A_631 = arith.constant 0 : i32
        %dma_wait3A_632 = tpu.memref_slice %arg4[%add3A_624, %dma_wait3A_631] : memref<819200x64xf32, #tpu.memory_space<hbm>> -> memref<128x64xf32, #tpu.memory_space<hbm>>
        %dma_wait3A_633 = arith.constant 0 : i32
        %dma_wait3A_634 = tpu.memref_slice %arg4[%add3A_624, %dma_wait3A_633] : memref<819200x64xf32, #tpu.memory_space<hbm>> -> memref<128x64xf32, #tpu.memory_space<hbm>>
        %dma_wait3A_635 = arith.constant 0 : i32
        %dma_wait3A_636 = arith.constant 0 : i32
        %dma_wait3A_637 = tpu.memref_slice %arg6[%dma_wait3A_625, %dma_wait3A_626, %dma_wait3A_635, %dma_wait3A_636] : memref<5x2x128x64xf32, #tpu.memory_space<vmem>> -> memref<1x1x128x64xf32, #tpu.memory_space<vmem>>
        %dma_wait3A_638 = tpu.memref_squeeze %dma_wait3A_637 : memref<1x1x128x64xf32, #tpu.memory_space<vmem>> -> memref<128x64xf32, #tpu.memory_space<vmem>>
        tpu.wait_dma2 semaphore(%arg8 : memref<!tpu.dma_semaphore, #tpu.memory_space<semaphore_mem>>) src(%dma_wait3A_638 : memref<128x64xf32, #tpu.memory_space<vmem>>) dst(%dma_wait3A_634 : memref<128x64xf32, #tpu.memory_space<hbm>>)
      } else {
      }
      %add3A_499 = arith.constant 2 : i32
      %add3A_500 = arith.addi %add3A_419, %add3A_499 : i32
      %lt3A_501 = arith.constant 100 : i32
      %lt3A_502 = arith.cmpi slt, %add3A_500, %lt3A_501 : i32
      %convert_element_type3A_503 = arith.extui %lt3A_502 : i1 to i32
      %cond3A_504 = arith.constant 0 : i32
      %cond3A_505 = arith.cmpi ne, %convert_element_type3A_503, %cond3A_504 : i32
      scf.if %cond3A_505 {
        %add3A_594 = arith.constant 2 : i32
        %add3A_595 = arith.addi %add3A_419, %add3A_594 : i32
        %mul3A_596 = arith.constant 2 : i32
        %mul3A_597 = arith.muli %add3A_595, %mul3A_596 : i32
        %add3A_598 = arith.constant 0 : i32
        %add3A_599 = arith.addi %mul3A_597, %add3A_598 : i32
        %dma_start3A_600 = arith.constant 0 : i32
        %dma_start3A_601 = arith.constant 0 : i32
        %dma_start3A_602 = arith.constant 0 : i32
        %dma_start3A_603 = arith.constant 0 : i32
        %dma_start3A_604 = tpu.memref_slice %arg6[%dma_start3A_600, %dma_start3A_601, %dma_start3A_602, %dma_start3A_603] : memref<5x2x128x64xf32, #tpu.memory_space<vmem>> -> memref<1x1x128x64xf32, #tpu.memory_space<vmem>>
        %dma_start3A_605 = tpu.memref_squeeze %dma_start3A_604 : memref<1x1x128x64xf32, #tpu.memory_space<vmem>> -> memref<128x64xf32, #tpu.memory_space<vmem>>
        %dma_start3A_606 = arith.constant 0 : i32
        %dma_start3A_607 = tpu.memref_slice %arg5[%add3A_599, %dma_start3A_606] : memref<200x128xi32, #tpu.memory_space<vmem>> -> memref<1x128xi32, #tpu.memory_space<vmem>>
        %dma_start3A_608 = tpu.memref_squeeze %dma_start3A_607 : memref<1x128xi32, #tpu.memory_space<vmem>> -> memref<128xi32, #tpu.memory_space<vmem>>
        %dma_start3A_609 = arith.constant 0 : i32
        %dma_start3A_610 = arith.constant 0 : i32
        %dma_start3A_611 = tpu.memref_slice %arg2[%dma_start3A_609, %dma_start3A_610] : memref<1000000x64xf32, #tpu.memory_space<hbm>> -> memref<1000000x64xf32, #tpu.memory_space<hbm>>
        tpu.enqueue_indirect_dma source(%dma_start3A_611 : memref<1000000x64xf32, #tpu.memory_space<hbm>>) target(%dma_start3A_605 : memref<128x64xf32, #tpu.memory_space<vmem>>) offsets(%dma_start3A_608 : memref<128xi32, #tpu.memory_space<vmem>>) semaphore(%arg7 : memref<!tpu.dma_semaphore, #tpu.memory_space<semaphore_mem>>)
        %mul3A_612 = arith.constant 2 : i32
        %mul3A_613 = arith.muli %add3A_595, %mul3A_612 : i32
        %add3A_614 = arith.constant 1 : i32
        %add3A_615 = arith.addi %mul3A_613, %add3A_614 : i32
        %dma_start3A_616 = arith.constant 0 : i32
        %dma_start3A_617 = arith.constant 1 : i32
        %dma_start3A_618 = arith.constant 0 : i32
        %dma_start3A_619 = arith.constant 0 : i32
        %dma_start3A_620 = tpu.memref_slice %arg6[%dma_start3A_616, %dma_start3A_617, %dma_start3A_618, %dma_start3A_619] : memref<5x2x128x64xf32, #tpu.memory_space<vmem>> -> memref<1x1x128x64xf32, #tpu.memory_space<vmem>>
        %dma_start3A_621 = tpu.memref_squeeze %dma_start3A_620 : memref<1x1x128x64xf32, #tpu.memory_space<vmem>> -> memref<128x64xf32, #tpu.memory_space<vmem>>
        %dma_start3A_622 = arith.constant 0 : i32
        %dma_start3A_623 = tpu.memref_slice %arg5[%add3A_615, %dma_start3A_622] : memref<200x128xi32, #tpu.memory_space<vmem>> -> memref<1x128xi32, #tpu.memory_space<vmem>>
        %dma_start3A_624 = tpu.memref_squeeze %dma_start3A_623 : memref<1x128xi32, #tpu.memory_space<vmem>> -> memref<128xi32, #tpu.memory_space<vmem>>
        %dma_start3A_625 = arith.constant 0 : i32
        %dma_start3A_626 = arith.constant 0 : i32
        %dma_start3A_627 = tpu.memref_slice %arg2[%dma_start3A_625, %dma_start3A_626] : memref<1000000x64xf32, #tpu.memory_space<hbm>> -> memref<1000000x64xf32, #tpu.memory_space<hbm>>
        tpu.enqueue_indirect_dma source(%dma_start3A_627 : memref<1000000x64xf32, #tpu.memory_space<hbm>>) target(%dma_start3A_621 : memref<128x64xf32, #tpu.memory_space<vmem>>) offsets(%dma_start3A_624 : memref<128xi32, #tpu.memory_space<vmem>>) semaphore(%arg7 : memref<!tpu.dma_semaphore, #tpu.memory_space<semaphore_mem>>)
      } else {
      }
      %add3A_506 = arith.constant 4 : i32
      %add3A_507 = arith.addi %add3A_157, %add3A_506 : i32
      %mul3A_508 = arith.constant 2 : i32
      %mul3A_509 = arith.muli %add3A_507, %mul3A_508 : i32
      %add3A_510 = arith.constant 0 : i32
      %add3A_511 = arith.addi %mul3A_509, %add3A_510 : i32
      %dma_wait3A_512 = arith.constant 4 : i32
      %dma_wait3A_513 = arith.constant 0 : i32
      %dma_wait3A_514 = arith.constant 0 : i32
      %dma_wait3A_515 = arith.constant 0 : i32
      %dma_wait3A_516 = tpu.memref_slice %arg6[%dma_wait3A_512, %dma_wait3A_513, %dma_wait3A_514, %dma_wait3A_515] : memref<5x2x128x64xf32, #tpu.memory_space<vmem>> -> memref<1x1x128x64xf32, #tpu.memory_space<vmem>>
      %dma_wait3A_517 = tpu.memref_squeeze %dma_wait3A_516 : memref<1x1x128x64xf32, #tpu.memory_space<vmem>> -> memref<128x64xf32, #tpu.memory_space<vmem>>
      %dma_wait3A_518 = arith.constant 0 : i32
      %dma_wait3A_519 = tpu.memref_slice %arg5[%add3A_511, %dma_wait3A_518] : memref<200x128xi32, #tpu.memory_space<vmem>> -> memref<1x128xi32, #tpu.memory_space<vmem>>
      %dma_wait3A_520 = tpu.memref_squeeze %dma_wait3A_519 : memref<1x128xi32, #tpu.memory_space<vmem>> -> memref<128xi32, #tpu.memory_space<vmem>>
      %dma_wait3A_521 = arith.constant 0 : i32
      %dma_wait3A_522 = arith.constant 0 : i32
      %dma_wait3A_523 = tpu.memref_slice %arg2[%dma_wait3A_521, %dma_wait3A_522] : memref<1000000x64xf32, #tpu.memory_space<hbm>> -> memref<1000000x64xf32, #tpu.memory_space<hbm>>
      tpu.wait_indirect_dma semaphore(%arg7 : memref<!tpu.dma_semaphore, #tpu.memory_space<semaphore_mem>>) src(%dma_wait3A_523 : memref<1000000x64xf32, #tpu.memory_space<hbm>>) dst(%dma_wait3A_517 : memref<128x64xf32, #tpu.memory_space<vmem>>)
      %mul3A_524 = arith.constant 2 : i32
      %mul3A_525 = arith.muli %add3A_507, %mul3A_524 : i32
      %add3A_526 = arith.constant 1 : i32
      %add3A_527 = arith.addi %mul3A_525, %add3A_526 : i32
      %dma_wait3A_528 = arith.constant 4 : i32
      %dma_wait3A_529 = arith.constant 1 : i32
      %dma_wait3A_530 = arith.constant 0 : i32
      %dma_wait3A_531 = arith.constant 0 : i32
      %dma_wait3A_532 = tpu.memref_slice %arg6[%dma_wait3A_528, %dma_wait3A_529, %dma_wait3A_530, %dma_wait3A_531] : memref<5x2x128x64xf32, #tpu.memory_space<vmem>> -> memref<1x1x128x64xf32, #tpu.memory_space<vmem>>
      %dma_wait3A_533 = tpu.memref_squeeze %dma_wait3A_532 : memref<1x1x128x64xf32, #tpu.memory_space<vmem>> -> memref<128x64xf32, #tpu.memory_space<vmem>>
      %dma_wait3A_534 = arith.constant 0 : i32
      %dma_wait3A_535 = tpu.memref_slice %arg5[%add3A_527, %dma_wait3A_534] : memref<200x128xi32, #tpu.memory_space<vmem>> -> memref<1x128xi32, #tpu.memory_space<vmem>>
      %dma_wait3A_536 = tpu.memref_squeeze %dma_wait3A_535 : memref<1x128xi32, #tpu.memory_space<vmem>> -> memref<128xi32, #tpu.memory_space<vmem>>
      %dma_wait3A_537 = arith.constant 0 : i32
      %dma_wait3A_538 = arith.constant 0 : i32
      %dma_wait3A_539 = tpu.memref_slice %arg2[%dma_wait3A_537, %dma_wait3A_538] : memref<1000000x64xf32, #tpu.memory_space<hbm>> -> memref<1000000x64xf32, #tpu.memory_space<hbm>>
      tpu.wait_indirect_dma semaphore(%arg7 : memref<!tpu.dma_semaphore, #tpu.memory_space<semaphore_mem>>) src(%dma_wait3A_539 : memref<1000000x64xf32, #tpu.memory_space<hbm>>) dst(%dma_wait3A_533 : memref<128x64xf32, #tpu.memory_space<vmem>>)
      %mul3A_540 = arith.constant 2 : i32
      %mul3A_541 = arith.muli %add3A_507, %mul3A_540 : i32
      %add3A_542 = arith.constant 0 : i32
      %add3A_543 = arith.addi %mul3A_541, %add3A_542 : i32
      %mul3A_544 = arith.constant 128 : i32
      %mul3A_545 = arith.muli %add3A_543, %mul3A_544 : i32
      %add3A_546 = arith.addi %mul3A_2, %mul3A_545 : i32
      %dma_start3A_547 = arith.constant 4 : i32
      %dma_start3A_548 = arith.constant 0 : i32
      %dma_start3A_549 = arith.constant 0 : i32
      %dma_start3A_550 = arith.constant 0 : i32
      %dma_start3A_551 = tpu.memref_slice %arg6[%dma_start3A_547, %dma_start3A_548, %dma_start3A_549, %dma_start3A_550] : memref<5x2x128x64xf32, #tpu.memory_space<vmem>> -> memref<1x1x128x64xf32, #tpu.memory_space<vmem>>
      %dma_start3A_552 = tpu.memref_squeeze %dma_start3A_551 : memref<1x1x128x64xf32, #tpu.memory_space<vmem>> -> memref<128x64xf32, #tpu.memory_space<vmem>>
      %dma_start3A_553 = arith.constant 0 : i32
      %dma_start3A_554 = tpu.memref_slice %arg4[%add3A_546, %dma_start3A_553] : memref<819200x64xf32, #tpu.memory_space<hbm>> -> memref<128x64xf32, #tpu.memory_space<hbm>>
      %dma_start3A_555 = arith.constant 0 : i32
      %dma_start3A_556 = tpu.memref_slice %arg4[%add3A_546, %dma_start3A_555] : memref<819200x64xf32, #tpu.memory_space<hbm>> -> memref<128x64xf32, #tpu.memory_space<hbm>>
      %dma_start3A_557 = arith.constant 0 : i32
      %dma_start3A_558 = arith.constant 0 : i32
      %dma_start3A_559 = tpu.memref_slice %arg6[%dma_start3A_547, %dma_start3A_548, %dma_start3A_557, %dma_start3A_558] : memref<5x2x128x64xf32, #tpu.memory_space<vmem>> -> memref<1x1x128x64xf32, #tpu.memory_space<vmem>>
      %dma_start3A_560 = tpu.memref_squeeze %dma_start3A_559 : memref<1x1x128x64xf32, #tpu.memory_space<vmem>> -> memref<128x64xf32, #tpu.memory_space<vmem>>
      tpu.enqueue_dma source(%dma_start3A_560 : memref<128x64xf32, #tpu.memory_space<vmem>>) target(%dma_start3A_556 : memref<128x64xf32, #tpu.memory_space<hbm>>) target_semaphore(%arg8 : memref<!tpu.dma_semaphore, #tpu.memory_space<semaphore_mem>>)
      %mul3A_561 = arith.constant 2 : i32
      %mul3A_562 = arith.muli %add3A_507, %mul3A_561 : i32
      %add3A_563 = arith.constant 1 : i32
      %add3A_564 = arith.addi %mul3A_562, %add3A_563 : i32
      %mul3A_565 = arith.constant 128 : i32
      %mul3A_566 = arith.muli %add3A_564, %mul3A_565 : i32
      %add3A_567 = arith.addi %mul3A_2, %mul3A_566 : i32
      %dma_start3A_568 = arith.constant 4 : i32
      %dma_start3A_569 = arith.constant 1 : i32
      %dma_start3A_570 = arith.constant 0 : i32
      %dma_start3A_571 = arith.constant 0 : i32
      %dma_start3A_572 = tpu.memref_slice %arg6[%dma_start3A_568, %dma_start3A_569, %dma_start3A_570, %dma_start3A_571] : memref<5x2x128x64xf32, #tpu.memory_space<vmem>> -> memref<1x1x128x64xf32, #tpu.memory_space<vmem>>
      %dma_start3A_573 = tpu.memref_squeeze %dma_start3A_572 : memref<1x1x128x64xf32, #tpu.memory_space<vmem>> -> memref<128x64xf32, #tpu.memory_space<vmem>>
      %dma_start3A_574 = arith.constant 0 : i32
      %dma_start3A_575 = tpu.memref_slice %arg4[%add3A_567, %dma_start3A_574] : memref<819200x64xf32, #tpu.memory_space<hbm>> -> memref<128x64xf32, #tpu.memory_space<hbm>>
      %dma_start3A_576 = arith.constant 0 : i32
      %dma_start3A_577 = tpu.memref_slice %arg4[%add3A_567, %dma_start3A_576] : memref<819200x64xf32, #tpu.memory_space<hbm>> -> memref<128x64xf32, #tpu.memory_space<hbm>>
      %dma_start3A_578 = arith.constant 0 : i32
      %dma_start3A_579 = arith.constant 0 : i32
      %dma_start3A_580 = tpu.memref_slice %arg6[%dma_start3A_568, %dma_start3A_569, %dma_start3A_578, %dma_start3A_579] : memref<5x2x128x64xf32, #tpu.memory_space<vmem>> -> memref<1x1x128x64xf32, #tpu.memory_space<vmem>>
      %dma_start3A_581 = tpu.memref_squeeze %dma_start3A_580 : memref<1x1x128x64xf32, #tpu.memory_space<vmem>> -> memref<128x64xf32, #tpu.memory_space<vmem>>
      tpu.enqueue_dma source(%dma_start3A_581 : memref<128x64xf32, #tpu.memory_space<vmem>>) target(%dma_start3A_577 : memref<128x64xf32, #tpu.memory_space<hbm>>) target_semaphore(%arg8 : memref<!tpu.dma_semaphore, #tpu.memory_space<semaphore_mem>>)
      %ge3A_582 = arith.constant 3 : i32
      %ge3A_583 = arith.cmpi sge, %add3A_507, %ge3A_582 : i32
      %convert_element_type3A_584 = arith.extui %ge3A_583 : i1 to i32
      %cond3A_585 = arith.constant 0 : i32
      %cond3A_586 = arith.cmpi ne, %convert_element_type3A_584, %cond3A_585 : i32
      scf.if %cond3A_586 {
        %sub3A = arith.constant 3 : i32
        %sub3A_594 = arith.subi %add3A_507, %sub3A : i32
        %mul3A_595 = arith.constant 2 : i32
        %mul3A_596 = arith.muli %sub3A_594, %mul3A_595 : i32
        %add3A_597 = arith.constant 0 : i32
        %add3A_598 = arith.addi %mul3A_596, %add3A_597 : i32
        %mul3A_599 = arith.constant 128 : i32
        %mul3A_600 = arith.muli %add3A_598, %mul3A_599 : i32
        %add3A_601 = arith.addi %mul3A_2, %mul3A_600 : i32
        %dma_wait3A_602 = arith.constant 1 : i32
        %dma_wait3A_603 = arith.constant 0 : i32
        %dma_wait3A_604 = arith.constant 0 : i32
        %dma_wait3A_605 = arith.constant 0 : i32
        %dma_wait3A_606 = tpu.memref_slice %arg6[%dma_wait3A_602, %dma_wait3A_603, %dma_wait3A_604, %dma_wait3A_605] : memref<5x2x128x64xf32, #tpu.memory_space<vmem>> -> memref<1x1x128x64xf32, #tpu.memory_space<vmem>>
        %dma_wait3A_607 = tpu.memref_squeeze %dma_wait3A_606 : memref<1x1x128x64xf32, #tpu.memory_space<vmem>> -> memref<128x64xf32, #tpu.memory_space<vmem>>
        %dma_wait3A_608 = arith.constant 0 : i32
        %dma_wait3A_609 = tpu.memref_slice %arg4[%add3A_601, %dma_wait3A_608] : memref<819200x64xf32, #tpu.memory_space<hbm>> -> memref<128x64xf32, #tpu.memory_space<hbm>>
        %dma_wait3A_610 = arith.constant 0 : i32
        %dma_wait3A_611 = tpu.memref_slice %arg4[%add3A_601, %dma_wait3A_610] : memref<819200x64xf32, #tpu.memory_space<hbm>> -> memref<128x64xf32, #tpu.memory_space<hbm>>
        %dma_wait3A_612 = arith.constant 0 : i32
        %dma_wait3A_613 = arith.constant 0 : i32
        %dma_wait3A_614 = tpu.memref_slice %arg6[%dma_wait3A_602, %dma_wait3A_603, %dma_wait3A_612, %dma_wait3A_613] : memref<5x2x128x64xf32, #tpu.memory_space<vmem>> -> memref<1x1x128x64xf32, #tpu.memory_space<vmem>>
        %dma_wait3A_615 = tpu.memref_squeeze %dma_wait3A_614 : memref<1x1x128x64xf32, #tpu.memory_space<vmem>> -> memref<128x64xf32, #tpu.memory_space<vmem>>
        tpu.wait_dma2 semaphore(%arg8 : memref<!tpu.dma_semaphore, #tpu.memory_space<semaphore_mem>>) src(%dma_wait3A_615 : memref<128x64xf32, #tpu.memory_space<vmem>>) dst(%dma_wait3A_611 : memref<128x64xf32, #tpu.memory_space<hbm>>)
        %sub3A_616 = arith.constant 3 : i32
        %sub3A_617 = arith.subi %add3A_507, %sub3A_616 : i32
        %mul3A_618 = arith.constant 2 : i32
        %mul3A_619 = arith.muli %sub3A_617, %mul3A_618 : i32
        %add3A_620 = arith.constant 1 : i32
        %add3A_621 = arith.addi %mul3A_619, %add3A_620 : i32
        %mul3A_622 = arith.constant 128 : i32
        %mul3A_623 = arith.muli %add3A_621, %mul3A_622 : i32
        %add3A_624 = arith.addi %mul3A_2, %mul3A_623 : i32
        %dma_wait3A_625 = arith.constant 1 : i32
        %dma_wait3A_626 = arith.constant 1 : i32
        %dma_wait3A_627 = arith.constant 0 : i32
        %dma_wait3A_628 = arith.constant 0 : i32
        %dma_wait3A_629 = tpu.memref_slice %arg6[%dma_wait3A_625, %dma_wait3A_626, %dma_wait3A_627, %dma_wait3A_628] : memref<5x2x128x64xf32, #tpu.memory_space<vmem>> -> memref<1x1x128x64xf32, #tpu.memory_space<vmem>>
        %dma_wait3A_630 = tpu.memref_squeeze %dma_wait3A_629 : memref<1x1x128x64xf32, #tpu.memory_space<vmem>> -> memref<128x64xf32, #tpu.memory_space<vmem>>
        %dma_wait3A_631 = arith.constant 0 : i32
        %dma_wait3A_632 = tpu.memref_slice %arg4[%add3A_624, %dma_wait3A_631] : memref<819200x64xf32, #tpu.memory_space<hbm>> -> memref<128x64xf32, #tpu.memory_space<hbm>>
        %dma_wait3A_633 = arith.constant 0 : i32
        %dma_wait3A_634 = tpu.memref_slice %arg4[%add3A_624, %dma_wait3A_633] : memref<819200x64xf32, #tpu.memory_space<hbm>> -> memref<128x64xf32, #tpu.memory_space<hbm>>
        %dma_wait3A_635 = arith.constant 0 : i32
        %dma_wait3A_636 = arith.constant 0 : i32
        %dma_wait3A_637 = tpu.memref_slice %arg6[%dma_wait3A_625, %dma_wait3A_626, %dma_wait3A_635, %dma_wait3A_636] : memref<5x2x128x64xf32, #tpu.memory_space<vmem>> -> memref<1x1x128x64xf32, #tpu.memory_space<vmem>>
        %dma_wait3A_638 = tpu.memref_squeeze %dma_wait3A_637 : memref<1x1x128x64xf32, #tpu.memory_space<vmem>> -> memref<128x64xf32, #tpu.memory_space<vmem>>
        tpu.wait_dma2 semaphore(%arg8 : memref<!tpu.dma_semaphore, #tpu.memory_space<semaphore_mem>>) src(%dma_wait3A_638 : memref<128x64xf32, #tpu.memory_space<vmem>>) dst(%dma_wait3A_634 : memref<128x64xf32, #tpu.memory_space<hbm>>)
      } else {
      }
      %add3A_587 = arith.constant 2 : i32
      %add3A_588 = arith.addi %add3A_507, %add3A_587 : i32
      %lt3A_589 = arith.constant 100 : i32
      %lt3A_590 = arith.cmpi slt, %add3A_588, %lt3A_589 : i32
      %convert_element_type3A_591 = arith.extui %lt3A_590 : i1 to i32
      %cond3A_592 = arith.constant 0 : i32
      %cond3A_593 = arith.cmpi ne, %convert_element_type3A_591, %cond3A_592 : i32
      scf.if %cond3A_593 {
        %add3A_594 = arith.constant 2 : i32
        %add3A_595 = arith.addi %add3A_507, %add3A_594 : i32
        %mul3A_596 = arith.constant 2 : i32
        %mul3A_597 = arith.muli %add3A_595, %mul3A_596 : i32
        %add3A_598 = arith.constant 0 : i32
        %add3A_599 = arith.addi %mul3A_597, %add3A_598 : i32
        %dma_start3A_600 = arith.constant 1 : i32
        %dma_start3A_601 = arith.constant 0 : i32
        %dma_start3A_602 = arith.constant 0 : i32
        %dma_start3A_603 = arith.constant 0 : i32
        %dma_start3A_604 = tpu.memref_slice %arg6[%dma_start3A_600, %dma_start3A_601, %dma_start3A_602, %dma_start3A_603] : memref<5x2x128x64xf32, #tpu.memory_space<vmem>> -> memref<1x1x128x64xf32, #tpu.memory_space<vmem>>
        %dma_start3A_605 = tpu.memref_squeeze %dma_start3A_604 : memref<1x1x128x64xf32, #tpu.memory_space<vmem>> -> memref<128x64xf32, #tpu.memory_space<vmem>>
        %dma_start3A_606 = arith.constant 0 : i32
        %dma_start3A_607 = tpu.memref_slice %arg5[%add3A_599, %dma_start3A_606] : memref<200x128xi32, #tpu.memory_space<vmem>> -> memref<1x128xi32, #tpu.memory_space<vmem>>
        %dma_start3A_608 = tpu.memref_squeeze %dma_start3A_607 : memref<1x128xi32, #tpu.memory_space<vmem>> -> memref<128xi32, #tpu.memory_space<vmem>>
        %dma_start3A_609 = arith.constant 0 : i32
        %dma_start3A_610 = arith.constant 0 : i32
        %dma_start3A_611 = tpu.memref_slice %arg2[%dma_start3A_609, %dma_start3A_610] : memref<1000000x64xf32, #tpu.memory_space<hbm>> -> memref<1000000x64xf32, #tpu.memory_space<hbm>>
        tpu.enqueue_indirect_dma source(%dma_start3A_611 : memref<1000000x64xf32, #tpu.memory_space<hbm>>) target(%dma_start3A_605 : memref<128x64xf32, #tpu.memory_space<vmem>>) offsets(%dma_start3A_608 : memref<128xi32, #tpu.memory_space<vmem>>) semaphore(%arg7 : memref<!tpu.dma_semaphore, #tpu.memory_space<semaphore_mem>>)
        %mul3A_612 = arith.constant 2 : i32
        %mul3A_613 = arith.muli %add3A_595, %mul3A_612 : i32
        %add3A_614 = arith.constant 1 : i32
        %add3A_615 = arith.addi %mul3A_613, %add3A_614 : i32
        %dma_start3A_616 = arith.constant 1 : i32
        %dma_start3A_617 = arith.constant 1 : i32
        %dma_start3A_618 = arith.constant 0 : i32
        %dma_start3A_619 = arith.constant 0 : i32
        %dma_start3A_620 = tpu.memref_slice %arg6[%dma_start3A_616, %dma_start3A_617, %dma_start3A_618, %dma_start3A_619] : memref<5x2x128x64xf32, #tpu.memory_space<vmem>> -> memref<1x1x128x64xf32, #tpu.memory_space<vmem>>
        %dma_start3A_621 = tpu.memref_squeeze %dma_start3A_620 : memref<1x1x128x64xf32, #tpu.memory_space<vmem>> -> memref<128x64xf32, #tpu.memory_space<vmem>>
        %dma_start3A_622 = arith.constant 0 : i32
        %dma_start3A_623 = tpu.memref_slice %arg5[%add3A_615, %dma_start3A_622] : memref<200x128xi32, #tpu.memory_space<vmem>> -> memref<1x128xi32, #tpu.memory_space<vmem>>
        %dma_start3A_624 = tpu.memref_squeeze %dma_start3A_623 : memref<1x128xi32, #tpu.memory_space<vmem>> -> memref<128xi32, #tpu.memory_space<vmem>>
        %dma_start3A_625 = arith.constant 0 : i32
        %dma_start3A_626 = arith.constant 0 : i32
        %dma_start3A_627 = tpu.memref_slice %arg2[%dma_start3A_625, %dma_start3A_626] : memref<1000000x64xf32, #tpu.memory_space<hbm>> -> memref<1000000x64xf32, #tpu.memory_space<hbm>>
        tpu.enqueue_indirect_dma source(%dma_start3A_627 : memref<1000000x64xf32, #tpu.memory_space<hbm>>) target(%dma_start3A_621 : memref<128x64xf32, #tpu.memory_space<vmem>>) offsets(%dma_start3A_624 : memref<128xi32, #tpu.memory_space<vmem>>) semaphore(%arg7 : memref<!tpu.dma_semaphore, #tpu.memory_space<semaphore_mem>>)
      } else {
      }
    }
    %scan3A_57 = arith.constant 20 : i32
    %add3A_58 = arith.constant 24832 : i32
    %add3A_59 = arith.addi %mul3A_2, %add3A_58 : i32
    %dma_wait3A = arith.constant 2 : i32
    %dma_wait3A_60 = arith.constant 0 : i32
    %dma_wait3A_61 = arith.constant 0 : i32
    %dma_wait3A_62 = arith.constant 0 : i32
    %dma_wait3A_63 = tpu.memref_slice %arg6[%dma_wait3A, %dma_wait3A_60, %dma_wait3A_61, %dma_wait3A_62] : memref<5x2x128x64xf32, #tpu.memory_space<vmem>> -> memref<1x1x128x64xf32, #tpu.memory_space<vmem>>
    %dma_wait3A_64 = tpu.memref_squeeze %dma_wait3A_63 : memref<1x1x128x64xf32, #tpu.memory_space<vmem>> -> memref<128x64xf32, #tpu.memory_space<vmem>>
    %dma_wait3A_65 = arith.constant 0 : i32
    %dma_wait3A_66 = tpu.memref_slice %arg4[%add3A_59, %dma_wait3A_65] : memref<819200x64xf32, #tpu.memory_space<hbm>> -> memref<128x64xf32, #tpu.memory_space<hbm>>
    %dma_wait3A_67 = arith.constant 0 : i32
    %dma_wait3A_68 = tpu.memref_slice %arg4[%add3A_59, %dma_wait3A_67] : memref<819200x64xf32, #tpu.memory_space<hbm>> -> memref<128x64xf32, #tpu.memory_space<hbm>>
    %dma_wait3A_69 = arith.constant 0 : i32
    %dma_wait3A_70 = arith.constant 0 : i32
    %dma_wait3A_71 = tpu.memref_slice %arg6[%dma_wait3A, %dma_wait3A_60, %dma_wait3A_69, %dma_wait3A_70] : memref<5x2x128x64xf32, #tpu.memory_space<vmem>> -> memref<1x1x128x64xf32, #tpu.memory_space<vmem>>
    %dma_wait3A_72 = tpu.memref_squeeze %dma_wait3A_71 : memref<1x1x128x64xf32, #tpu.memory_space<vmem>> -> memref<128x64xf32, #tpu.memory_space<vmem>>
    tpu.wait_dma2 semaphore(%arg8 : memref<!tpu.dma_semaphore, #tpu.memory_space<semaphore_mem>>) src(%dma_wait3A_72 : memref<128x64xf32, #tpu.memory_space<vmem>>) dst(%dma_wait3A_68 : memref<128x64xf32, #tpu.memory_space<hbm>>)
    %add3A_73 = arith.constant 24960 : i32
    %add3A_74 = arith.addi %mul3A_2, %add3A_73 : i32
    %dma_wait3A_75 = arith.constant 2 : i32
    %dma_wait3A_76 = arith.constant 1 : i32
    %dma_wait3A_77 = arith.constant 0 : i32
    %dma_wait3A_78 = arith.constant 0 : i32
    %dma_wait3A_79 = tpu.memref_slice %arg6[%dma_wait3A_75, %dma_wait3A_76, %dma_wait3A_77, %dma_wait3A_78] : memref<5x2x128x64xf32, #tpu.memory_space<vmem>> -> memref<1x1x128x64xf32, #tpu.memory_space<vmem>>
    %dma_wait3A_80 = tpu.memref_squeeze %dma_wait3A_79 : memref<1x1x128x64xf32, #tpu.memory_space<vmem>> -> memref<128x64xf32, #tpu.memory_space<vmem>>
    %dma_wait3A_81 = arith.constant 0 : i32
    %dma_wait3A_82 = tpu.memref_slice %arg4[%add3A_74, %dma_wait3A_81] : memref<819200x64xf32, #tpu.memory_space<hbm>> -> memref<128x64xf32, #tpu.memory_space<hbm>>
    %dma_wait3A_83 = arith.constant 0 : i32
    %dma_wait3A_84 = tpu.memref_slice %arg4[%add3A_74, %dma_wait3A_83] : memref<819200x64xf32, #tpu.memory_space<hbm>> -> memref<128x64xf32, #tpu.memory_space<hbm>>
    %dma_wait3A_85 = arith.constant 0 : i32
    %dma_wait3A_86 = arith.constant 0 : i32
    %dma_wait3A_87 = tpu.memref_slice %arg6[%dma_wait3A_75, %dma_wait3A_76, %dma_wait3A_85, %dma_wait3A_86] : memref<5x2x128x64xf32, #tpu.memory_space<vmem>> -> memref<1x1x128x64xf32, #tpu.memory_space<vmem>>
    %dma_wait3A_88 = tpu.memref_squeeze %dma_wait3A_87 : memref<1x1x128x64xf32, #tpu.memory_space<vmem>> -> memref<128x64xf32, #tpu.memory_space<vmem>>
    tpu.wait_dma2 semaphore(%arg8 : memref<!tpu.dma_semaphore, #tpu.memory_space<semaphore_mem>>) src(%dma_wait3A_88 : memref<128x64xf32, #tpu.memory_space<vmem>>) dst(%dma_wait3A_84 : memref<128x64xf32, #tpu.memory_space<hbm>>)
    %add3A_89 = arith.constant 25088 : i32
    %add3A_90 = arith.addi %mul3A_2, %add3A_89 : i32
    %dma_wait3A_91 = arith.constant 3 : i32
    %dma_wait3A_92 = arith.constant 0 : i32
    %dma_wait3A_93 = arith.constant 0 : i32
    %dma_wait3A_94 = arith.constant 0 : i32
    %dma_wait3A_95 = tpu.memref_slice %arg6[%dma_wait3A_91, %dma_wait3A_92, %dma_wait3A_93, %dma_wait3A_94] : memref<5x2x128x64xf32, #tpu.memory_space<vmem>> -> memref<1x1x128x64xf32, #tpu.memory_space<vmem>>
    %dma_wait3A_96 = tpu.memref_squeeze %dma_wait3A_95 : memref<1x1x128x64xf32, #tpu.memory_space<vmem>> -> memref<128x64xf32, #tpu.memory_space<vmem>>
    %dma_wait3A_97 = arith.constant 0 : i32
    %dma_wait3A_98 = tpu.memref_slice %arg4[%add3A_90, %dma_wait3A_97] : memref<819200x64xf32, #tpu.memory_space<hbm>> -> memref<128x64xf32, #tpu.memory_space<hbm>>
    %dma_wait3A_99 = arith.constant 0 : i32
    %dma_wait3A_100 = tpu.memref_slice %arg4[%add3A_90, %dma_wait3A_99] : memref<819200x64xf32, #tpu.memory_space<hbm>> -> memref<128x64xf32, #tpu.memory_space<hbm>>
    %dma_wait3A_101 = arith.constant 0 : i32
    %dma_wait3A_102 = arith.constant 0 : i32
    %dma_wait3A_103 = tpu.memref_slice %arg6[%dma_wait3A_91, %dma_wait3A_92, %dma_wait3A_101, %dma_wait3A_102] : memref<5x2x128x64xf32, #tpu.memory_space<vmem>> -> memref<1x1x128x64xf32, #tpu.memory_space<vmem>>
    %dma_wait3A_104 = tpu.memref_squeeze %dma_wait3A_103 : memref<1x1x128x64xf32, #tpu.memory_space<vmem>> -> memref<128x64xf32, #tpu.memory_space<vmem>>
    tpu.wait_dma2 semaphore(%arg8 : memref<!tpu.dma_semaphore, #tpu.memory_space<semaphore_mem>>) src(%dma_wait3A_104 : memref<128x64xf32, #tpu.memory_space<vmem>>) dst(%dma_wait3A_100 : memref<128x64xf32, #tpu.memory_space<hbm>>)
    %add3A_105 = arith.constant 25216 : i32
    %add3A_106 = arith.addi %mul3A_2, %add3A_105 : i32
    %dma_wait3A_107 = arith.constant 3 : i32
    %dma_wait3A_108 = arith.constant 1 : i32
    %dma_wait3A_109 = arith.constant 0 : i32
    %dma_wait3A_110 = arith.constant 0 : i32
    %dma_wait3A_111 = tpu.memref_slice %arg6[%dma_wait3A_107, %dma_wait3A_108, %dma_wait3A_109, %dma_wait3A_110] : memref<5x2x128x64xf32, #tpu.memory_space<vmem>> -> memref<1x1x128x64xf32, #tpu.memory_space<vmem>>
    %dma_wait3A_112 = tpu.memref_squeeze %dma_wait3A_111 : memref<1x1x128x64xf32, #tpu.memory_space<vmem>> -> memref<128x64xf32, #tpu.memory_space<vmem>>
    %dma_wait3A_113 = arith.constant 0 : i32
    %dma_wait3A_114 = tpu.memref_slice %arg4[%add3A_106, %dma_wait3A_113] : memref<819200x64xf32, #tpu.memory_space<hbm>> -> memref<128x64xf32, #tpu.memory_space<hbm>>
    %dma_wait3A_115 = arith.constant 0 : i32
    %dma_wait3A_116 = tpu.memref_slice %arg4[%add3A_106, %dma_wait3A_115] : memref<819200x64xf32, #tpu.memory_space<hbm>> -> memref<128x64xf32, #tpu.memory_space<hbm>>
    %dma_wait3A_117 = arith.constant 0 : i32
    %dma_wait3A_118 = arith.constant 0 : i32
    %dma_wait3A_119 = tpu.memref_slice %arg6[%dma_wait3A_107, %dma_wait3A_108, %dma_wait3A_117, %dma_wait3A_118] : memref<5x2x128x64xf32, #tpu.memory_space<vmem>> -> memref<1x1x128x64xf32, #tpu.memory_space<vmem>>
    %dma_wait3A_120 = tpu.memref_squeeze %dma_wait3A_119 : memref<1x1x128x64xf32, #tpu.memory_space<vmem>> -> memref<128x64xf32, #tpu.memory_space<vmem>>
    tpu.wait_dma2 semaphore(%arg8 : memref<!tpu.dma_semaphore, #tpu.memory_space<semaphore_mem>>) src(%dma_wait3A_120 : memref<128x64xf32, #tpu.memory_space<vmem>>) dst(%dma_wait3A_116 : memref<128x64xf32, #tpu.memory_space<hbm>>)
    %add3A_121 = arith.constant 25344 : i32
    %add3A_122 = arith.addi %mul3A_2, %add3A_121 : i32
    %dma_wait3A_123 = arith.constant 4 : i32
    %dma_wait3A_124 = arith.constant 0 : i32
    %dma_wait3A_125 = arith.constant 0 : i32
    %dma_wait3A_126 = arith.constant 0 : i32
    %dma_wait3A_127 = tpu.memref_slice %arg6[%dma_wait3A_123, %dma_wait3A_124, %dma_wait3A_125, %dma_wait3A_126] : memref<5x2x128x64xf32, #tpu.memory_space<vmem>> -> memref<1x1x128x64xf32, #tpu.memory_space<vmem>>
    %dma_wait3A_128 = tpu.memref_squeeze %dma_wait3A_127 : memref<1x1x128x64xf32, #tpu.memory_space<vmem>> -> memref<128x64xf32, #tpu.memory_space<vmem>>
    %dma_wait3A_129 = arith.constant 0 : i32
    %dma_wait3A_130 = tpu.memref_slice %arg4[%add3A_122, %dma_wait3A_129] : memref<819200x64xf32, #tpu.memory_space<hbm>> -> memref<128x64xf32, #tpu.memory_space<hbm>>
    %dma_wait3A_131 = arith.constant 0 : i32
    %dma_wait3A_132 = tpu.memref_slice %arg4[%add3A_122, %dma_wait3A_131] : memref<819200x64xf32, #tpu.memory_space<hbm>> -> memref<128x64xf32, #tpu.memory_space<hbm>>
    %dma_wait3A_133 = arith.constant 0 : i32
    %dma_wait3A_134 = arith.constant 0 : i32
    %dma_wait3A_135 = tpu.memref_slice %arg6[%dma_wait3A_123, %dma_wait3A_124, %dma_wait3A_133, %dma_wait3A_134] : memref<5x2x128x64xf32, #tpu.memory_space<vmem>> -> memref<1x1x128x64xf32, #tpu.memory_space<vmem>>
    %dma_wait3A_136 = tpu.memref_squeeze %dma_wait3A_135 : memref<1x1x128x64xf32, #tpu.memory_space<vmem>> -> memref<128x64xf32, #tpu.memory_space<vmem>>
    tpu.wait_dma2 semaphore(%arg8 : memref<!tpu.dma_semaphore, #tpu.memory_space<semaphore_mem>>) src(%dma_wait3A_136 : memref<128x64xf32, #tpu.memory_space<vmem>>) dst(%dma_wait3A_132 : memref<128x64xf32, #tpu.memory_space<hbm>>)
    %add3A_137 = arith.constant 25472 : i32
    %add3A_138 = arith.addi %mul3A_2, %add3A_137 : i32
    %dma_wait3A_139 = arith.constant 4 : i32
    %dma_wait3A_140 = arith.constant 1 : i32
    %dma_wait3A_141 = arith.constant 0 : i32
    %dma_wait3A_142 = arith.constant 0 : i32
    %dma_wait3A_143 = tpu.memref_slice %arg6[%dma_wait3A_139, %dma_wait3A_140, %dma_wait3A_141, %dma_wait3A_142] : memref<5x2x128x64xf32, #tpu.memory_space<vmem>> -> memref<1x1x128x64xf32, #tpu.memory_space<vmem>>
    %dma_wait3A_144 = tpu.memref_squeeze %dma_wait3A_143 : memref<1x1x128x64xf32, #tpu.memory_space<vmem>> -> memref<128x64xf32, #tpu.memory_space<vmem>>
    %dma_wait3A_145 = arith.constant 0 : i32
    %dma_wait3A_146 = tpu.memref_slice %arg4[%add3A_138, %dma_wait3A_145] : memref<819200x64xf32, #tpu.memory_space<hbm>> -> memref<128x64xf32, #tpu.memory_space<hbm>>
    %dma_wait3A_147 = arith.constant 0 : i32
    %dma_wait3A_148 = tpu.memref_slice %arg4[%add3A_138, %dma_wait3A_147] : memref<819200x64xf32, #tpu.memory_space<hbm>> -> memref<128x64xf32, #tpu.memory_space<hbm>>
    %dma_wait3A_149 = arith.constant 0 : i32
    %dma_wait3A_150 = arith.constant 0 : i32
    %dma_wait3A_151 = tpu.memref_slice %arg6[%dma_wait3A_139, %dma_wait3A_140, %dma_wait3A_149, %dma_wait3A_150] : memref<5x2x128x64xf32, #tpu.memory_space<vmem>> -> memref<1x1x128x64xf32, #tpu.memory_space<vmem>>
    %dma_wait3A_152 = tpu.memref_squeeze %dma_wait3A_151 : memref<1x1x128x64xf32, #tpu.memory_space<vmem>> -> memref<128x64xf32, #tpu.memory_space<vmem>>
    tpu.wait_dma2 semaphore(%arg8 : memref<!tpu.dma_semaphore, #tpu.memory_space<semaphore_mem>>) src(%dma_wait3A_152 : memref<128x64xf32, #tpu.memory_space<vmem>>) dst(%dma_wait3A_148 : memref<128x64xf32, #tpu.memory_space<hbm>>)
    return
  }
}

</mosaic_0001>

<sc_bundles>
// kernel: kernel.3.cloned.1.call-start
scs
__scs_entry_jumppad:
0x0: {  	(pc) =	sbr.rel $0x88, $3  }
0x1: {  	(tag) =	ssettag $0x0;
	lr =	simm.s32 $0x1  }
0x2: {  	[smem:$0x3F9F] =	sst lr;
	_ =	strace $0xD0000000  }
0x3: {  	_ = 	snop  }
0x4: {  	_ = 	snop  }
0x5: {  	_ = 	snop  }
0x6: {  	_ = 	snop  }
0x7: {  	_ = 	snop  }
__scs_overlays_trampoline_lowered:
0x8: {  	[smem:$0x3FAE] =	sst s0  }
0x9: {  	[smem:$0x3FAF] =	sst s1  }
0xa: {  	[smem:$0x3FB0] =	sst s2  }
0xb: {  	[smem:$0x3FB1] =	sst s3  }
0xc: {  	[smem:$0x3FB2] =	sst s4  }
0xd: {  	[smem:$0x3FB3] =	sst s5  }
0xe: {  	[smem:$0x3FB4] =	sst s6  }
0xf: {  	[smem:$0x3FB5] =	sst s7  }
0x10: {  	[smem:$0x3FB6] =	sst s8  }
0x11: {  	[smem:$0x3FB7] =	sst s9;
	s0 =	simm.s32 @!p0 $0x0  }
0x12: {  	s1 =	sld [smem:$0x3F9D];
	s0 =	simm.s32 @p0 $0x1  }
0x13: {  	[smem:$0x3FB8] =	sst s0;
	s0 =	simm.s32 @!p1 $0x0  }
0x14: {  	s2 =	sld [smem:$0x3F9C];
	s0 =	simm.s32 @p1 $0x1  }
0x15: {  	[smem:$0x3FB9] =	sst s0;
	s0 =	simm.s32 @!p2 $0x0  }
0x16: {  	s3 =	sld [smem:$0x3FDB];
	s0 =	simm.s32 @p2 $0x1  }
0x17: {  	s4 =	simm.s32 $0x1BF5;
	[smem:$0x3FBB] =	sst s0  }
0x18: {  	s0 =	sld [smem:$0x3F9E];
	_ =	swait.ge [sflag:s4], $0x0  }
0x19: {  	s7 =	sld [smem:$0x3F9F]  }
0x1a: {  	s8 =	sadd.s32 $0xFFFFE003, lr  }
0x1b: {  	s9 =	sadd.s32 $0xFFFFFEF7, lr;
	s5 =	simm.s32 $0xFFFFFFFF;
	p2 =	slt.u32 s8, $0xFFFFF086  }
0x1c: {  	p1 =	slt.u32 s9, $0xF7A;
	s5 =	simm.s32 @!p2 $0x0  }
0x1d: {  	s5 =	simm.s32 @p1 $0x1;
	p0 =	seq.s32 s7, s2  }
0x1e: {  	s7 =	smul.u32 @!p0 $0xF7A, s2;
	p2 =	seq.s32 @!p0 s5, $0x0  }
0x1f: {  	s9 =	smul.u32 $0xF7A, s1;
	s8 =	simm.s32 @!p0 $0x1BF5;
	p2 =	por !p2, p0  }
0x20: {  	[sflag:s8] =	ssyncset.s32 @!p0 $0xFFFFF086;
	s6 =	sadd.s32 @!p0 s3, s7;
	s7 =	simm.s32 @!p0 $0x108  }
0x21: {  	s3 =	sadd.s32 s3, s9;
	s6 =	sadd.s32 @!p0 $0x88, s6;
	s7 =	simm.s32 @p2 $0x1082  }
0x22: {  	[simem:s7], [sflag:s8] =	dma.local @!p0 [hbm:s6], $0xF7A  }
0x23: {  	s9 =	sor.u32 $0xD0000000, s2;
	s6 =	simm.s32 $0x108;
	_ =	swait.ge @!p0 [sflag:s8], $0x0  }
0x24: {  	s3 =	sadd.s32 $0x88, s3;
	s6 =	simm.s32 @!p1 $0x1082;
	[sflag:s4] =	ssyncset.s32 $0xFFFFF086  }
0x25: {  	[simem:s6], [sflag:s4] =	dma.local [hbm:s3], $0xF7A  }
0x26: {  	[smem:$0x3F9F] =	sst s1;
	(tag) =	ssettag s2;
	_ =	strace s9  }
0x27: {  	s1 =	sld [smem:$0x3FAF]  }
0x28: {  	s2 =	sld [smem:$0x3FB0]  }
0x29: {  	s4 =	sld [smem:$0x3FB2]  }
0x2a: {  	p0 =	seq.s32 s5, $0x0;
	s5 =	sld [smem:$0x3FB3]  }
0x2b: {  	s6 =	sld [smem:$0x3FB4]  }
0x2c: {  	s7 =	sld [smem:$0x3FB5]  }
0x2d: {  	s3 =	simm.s32 $0x108;
	s8 =	sld [smem:$0x3FB6]  }
0x2e: {  	s3 =	simm.s32 @!p0 $0x1082;
	s9 =	sld [smem:$0x3FB7]  }
0x2f: {  	lr =	sadd.s32 s0, s3;
	s0 =	sld [smem:$0x3FAE]  }
0x30: {  	s3 =	sld [smem:$0x3FB1]  }
0x31: {  	[smem:$0x3FBA] =	sst s10  }
0x32: {  	s10 =	sld [smem:$0x3FB8];
	_ =	sdelay $0x3  }
0x33: {  	p0 =	seq.s32 s10, $0x1;
	s10 =	sld [smem:$0x3FBA];
	_ =	sdelay $0x3  }
0x34: {  	[smem:$0x3FBA] =	sst s10  }
0x35: {  	s10 =	sld [smem:$0x3FB9];
	_ =	sdelay $0x3  }
0x36: {  	p1 =	seq.s32 s10, $0x1;
	s10 =	sld [smem:$0x3FBA];
	_ =	sdelay $0x3  }
0x37: {  	[smem:$0x3FBA] =	sst s10  }
0x38: {  	s10 =	sld [smem:$0x3FBB]  }
0x39: {  	_ = 	snop;
	(pc) =	sbr.ind lr, $3  }
0x3a: {  	_ = 	snop  }
0x3b: {  	_ = 	snop  }
0x3c: {  	p2 =	seq.s32 s10, $0x1;
	s10 =	sld [smem:$0x3FBA]  }
0x3d: {  	_ =	shalt  }
0x3e: {  	_ =	shalt  }
0x3f: {  	_ =	shalt  }
0x40: {  	_ =	shalt  }
0x41: {  	_ =	shalt  }
0x42: {  	_ =	shalt  }
0x43: {  	_ =	shalt  }
0x44: {  	_ =	shalt  }
0x45: {  	_ =	shalt  }
0x46: {  	_ =	shalt  }
0x47: {  	_ =	shalt  }
0x48: {  	_ =	shalt  }
0x49: {  	_ =	shalt  }
0x4a: {  	_ =	shalt  }
0x4b: {  	_ =	shalt  }
0x4c: {  	_ =	shalt  }
0x4d: {  	_ =	shalt  }
0x4e: {  	_ =	shalt  }
0x4f: {  	_ =	shalt  }
0x50: {  	_ =	shalt  }
0x51: {  	_ =	shalt  }
0x52: {  	_ =	shalt  }
0x53: {  	_ =	shalt  }
0x54: {  	_ =	shalt  }
0x55: {  	_ =	shalt  }
0x56: {  	_ =	shalt  }
0x57: {  	_ =	shalt  }
0x58: {  	_ =	shalt  }
0x59: {  	_ =	shalt  }
0x5a: {  	_ =	shalt  }
0x5b: {  	_ =	shalt  }
0x5c: {  	_ =	shalt  }
0x5d: {  	_ =	shalt  }
0x5e: {  	_ =	shalt  }
0x5f: {  	_ =	shalt  }
0x60: {  	_ =	shalt  }
0x61: {  	_ =	shalt  }
0x62: {  	_ =	shalt  }
0x63: {  	_ =	shalt  }
0x64: {  	_ =	shalt  }
0x65: {  	_ =	shalt  }
0x66: {  	_ =	shalt  }
0x67: {  	_ =	shalt  }
0x68: {  	_ =	shalt  }
0x69: {  	_ =	shalt  }
0x6a: {  	_ =	shalt  }
0x6b: {  	_ =	shalt  }
0x6c: {  	_ =	shalt  }
0x6d: {  	_ =	shalt  }
0x6e: {  	_ =	shalt  }
0x6f: {  	_ =	shalt  }
0x70: {  	_ =	shalt  }
0x71: {  	_ =	shalt  }
0x72: {  	_ =	shalt  }
0x73: {  	_ =	shalt  }
0x74: {  	_ =	shalt  }
0x75: {  	_ =	shalt  }
0x76: {  	_ =	shalt  }
0x77: {  	_ =	shalt  }
0x78: {  	_ =	shalt  }
0x79: {  	_ =	shalt  }
0x7a: {  	_ =	shalt  }
0x7b: {  	_ =	shalt  }
0x7c: {  	_ =	shalt  }
0x7d: {  	_ =	shalt  }
0x7e: {  	_ =	shalt  }
0x7f: {  	_ =	shalt  }
0x80: {  	_ =	shalt  }
0x81: {  	_ =	shalt  }
0x82: {  	_ =	shalt  }
0x83: {  	_ =	shalt  }
0x84: {  	_ =	shalt  }
0x85: {  	_ =	shalt  }
0x86: {  	_ =	shalt  }
0x87: {  	_ =	shalt  }
.Lfunc_end0:
.L_simem_size_0:
called_computation.1_lowered:
.L_overlay_start_0:
0x88: {  	s2 =	sld [smem:$0x3FD9]  }
0x89: {  	s3 =	sld [smem:$0x3FFE];
	_ =	sdelay $0x1  }
0x8a: {  	s1 =	srdreg.scid  }
0x8b: {  	s0 =	sand.u32 $0x1, s1  }
0x8c: {  	s17 =	sshll.u32 s0, $0xA;
	s2 =	sadd.s32 s3, s2  }
0x8d: {  	s2 =	sadd.s32 s2, s17  }
0x8e: {  	[smem:$0x3FC6] =	sst s2  }
0x8f: {  	_ = 	snop  }
0x90: {  	s2 =	sld [smem:$0x3FD0];
	(tm) =	ssettm $0x1  }
0x91: {  	s18 =	sld [smem:$0x3FFB];
	_ =	sdelay $0x3  }
0x92: {  	_ =	strace s18  }
0x93: {  	s3 =	sld [smem:$0x3FFC];
	_ =	sdelay $0x3  }
0x94: {  	_ =	strace s3  }
0x95: {  	s3 =	sld [smem:$0x3FFD];
	_ =	sdelay $0x3  }
0x96: {  	_ =	strace s3  }
0x97: {  	_ =	strace $0x8FFFFFFF  }
0x98: {  	s19 =	sld [smem:$0x3FDB];
	_ =	sdelay $0x1  }
0x99: {  	s4 =	simm.s32 $_scs_section_size  }
0x9a: {  	s5 =	simm.s32 $_size__tile_overlayer_lowered;
	s6 =	simm.s32 $_tile_overlayer_lowered  }
0x9b: {  	s22 =	simm.s32 $0x1BFF;
	s21 =	sshll.u32 s6, $0x1;
	s3 =	sadd.s32 s4, s19  }
0x9c: {  	s7 =	simm.s32 $0x0;
	s20 =	sshll.u32 s5, $0x1;
	s5 =	sadd.s32 s21, s3  }
0x9d: {  	[timem:s7], [sflag:s22] =	dma.local [hbm:s5], s20  }
0x9e: {  	_ =	swait.ge [sflag:s22], s20  }
0x9f: {  	s4 =	ssub.s32 $0x0, s20;
	[sflag:s22] =	ssyncset.done $0x0  }
0xa0: {  	[sflag:s22] =	ssyncadd.s32 s4;
	_ =	sdelay $0x1  }
0xa1: {  	s23 =	simm.s32 $0x1B8B  }
0xa2: {  	_ =	swait.ge [sflag:s23], $0x1  }
0xa3: {  	[sflag:s23] =	ssyncset.done $0x0  }
0xa4: {  	s25 =	simm.s32 $0x1B8E;
	s24 =	sld [smem:$0x3FFE];
	[sflag:s23] =	ssyncadd.s32 $0xFFFFFFFF  }
0xa5: {  	s26 =	simm.s32 $execute0_lowered;
	[smem:$0x3FD2] =	sst s25  }
0xa6: {  	s5 =	sshll.u32 s26, $0x1;
	_ =	strace $0x80000046;
	[dreg:$0x1] =	wrdreg $0xFFFFFFFF  }
0xa7: {  	s28 =	simm.s32 $_size_execute0_lowered;
	s3 =	sadd.s32 s3, s5;
	[dreg:$0x0] =	wrdreg $0x0  }
0xa8: {  	s5 =	sshll.u32 s28, $0x1;
	[dreg:$0x2] =	wrdreg s3  }
0xa9: {  	[dreg:$0x3] =	wrdreg s5  }
0xaa: {  	[dreg:$0x4] =	wrdreg $0xC0  }
0xab: {  	_ =	task [dreg:s7], $0x5FFFF  }
0xac: {  	[dreg:$0x1] =	wrdreg $0xFFFFFFFF  }
0xad: {  	[dreg:$0x0] =	wrdreg $0x60  }
0xae: {  	[dreg:$0x2] =	wrdreg s24  }
0xaf: {  	[dreg:$0x3] =	wrdreg s2  }
0xb0: {  	[dreg:$0x4] =	wrdreg $0x9  }
0xb1: {  	_ =	task.clear_ibuf [dreg:s7], $0x5FFFF;
	_ =	strace $0x90000046  }
0xb2: {  	s29 =	simm.s32 $0x9;
	_ =	strace $0x80000048  }
0xb3: {  	_ =	swait.ge [sflag:s29], $0x1  }
0xb4: {  	[sflag:s29] =	ssyncadd.s32 $0xFFFFFFFF  }
0xb5: {  	_ =	strace $0x90000048  }
0xb6: {  	_ =	sfence  }
0xb7: {  	s30 =	sld [smem:$0x0];
	_ =	sdelay $0x2  }
0xb8: {  	s31 =	sshll.u32 s1, $0xD;
	s1 =	sshrl.u32 s1, $0x2  }
0xb9: {  	s3 =	sand.u32 $0x4000, s31;
	s1 =	sadd.s32 s1, s30  }
0xba: {  	s0 =	sor.u32 s3, s0;
	s1 =	sshll.u32 s1, $0x11  }
0xbb: {  	s0 =	sor.u32 s1, s0  }
0xbc: {  	s0 =	sadd.s32 $0x8F2B, s0  }
0xbd: {  	[sflag:s0] =	ssyncadd.remote.s32 $0x1  }
0xbe: {  	_ =	sfence.sel $0xFFFF  }
0xbf: {  	[dreg:$0x0] =	wrdreg $0xFFFFFFFF;
	(pc) =	sbr.abs _section_cstart, $3  }
0xc0: {  	[dreg:$0x1] =	wrdreg $0xFFFFFFFF  }
0xc1: {  	_ =	task.clear_ibuf [dreg:s7], $0x2FFFF;
	_ =	strace $0x9FFFFFFF  }
0xc2: {  	(tm) =	ssettm $0x7FFFFFFF  }
0xc3: {  	_ =	shalt  }
tec
execute0_lowered:
.L_overlay_start_1:
0x0: {  	(tag) =	ssettag $0x1  }
0x1: {  	s0 =	srdreg.scid  }
0x2: {  	s10 =	stileid.u32;
	s1 =	rddreg [dreg:$0x0];
	s3 =	simm.s32 $0x0  }
0x3: {  	s13 =	simm.s32 $0x3;
	s14 =	simm.s32 $0x80;
	s15 =	simm.s32 $0x6400  }
0x4: {  	s16 =	simm.s32 $0x8400;
	s18 =	simm.s32 $0xA400;
	s6 =	smul.u32 $0xC800, s10  }
0x5: {  	s28 =	simm.s32 $0x18400;
	s29 =	simm.s32 $0x2;
	s8 =	smul.u32 $0x64000, s10  }
0x6: {  	s0 =	sand.u32 $0x1, s0;
	s2 =	sshll.u32 s10, $0x1;
	s10 =	smul.u32 $0x320000, s10  }
0x7: {  	s30 =	simm.s32 $0x0;
	[smem:$0x7FF] =	sst s3;
	s7 =	smul.u32 $0x6400, s0  }
0x8: {  	s4 =	sadd.s32 $0xF42E00, s1;
	s5 =	ssub.s32 $0x2, s0;
	s21 =	smul.u32 $0x190000, s0  }
0x9: {  	s2 =	sor.u32 s0, s2;
	s0 =	smul.u32 $0x32000, s0;
	s9 =	sshrl.u32 s5, $0x1  }
0xa: {  	_ =	strace $0x80000047;
	s2 =	smul.u32 $0x6400, s2;
	s20 =	ssub.s32 s5, s9  }
0xb: {  	s22 =	sadd.s32 s7, s6;
	s23 =	sadd.s32 s21, s10;
	s8 =	sadd.s32 s0, s8  }
0xc: {  	s21 =	simm.s32 $0x1;
	s2 =	sshrl.u32 s2, $0x3;
	s24 =	sadd.s32 $0x10000, s23  }
0xd: {  	s25 =	sor.u32 $0xC000, s23;
	s26 =	sor.u32 $0x4000, s23;
	s31 =	sor.u32 $0x8000, s23  }
0xe: {  	s23 =	simm.s32 $0x10400;
	s1 =	sadd.s32 s2, s1;
	s2 =	smax.u32 s20, $0x1  }
.Ltmp0:
0xf: {  	s9 =	sshrl.u32 s24, $0x3;
	s10 =	sshrl.u32 s25, $0x3;
	(pc) =	sbr.rel .LBB2_1-.Ltmp0, $4  }
0x10: {  	s11 =	sshrl.u32 s26, $0x3;
	s12 =	sshrl.u32 s31, $0x3;
	s20 =	simm.s32 $0xC400  }
0x11: {  	s24 =	simm.s32 $0x12400;
	s25 =	simm.s32 $0x14400;
	s1 =	sadd.s32 $0xA00, s1  }
0x12: {  	s26 =	simm.s32 $0x16400;
	[dreg:$0x3] =	wrdreg s1;
	s1 =	sshll.u32 s22, $0x3  }
0x13: {  	[dreg:$0x4] =	wrdreg s2;
	s22 =	simm.s32 $0xE400;
	s7 =	sor.u32 $0x400, s1  }
.LBB2_4:
0x14: {  	_ =	swait.ge [sflag:s29], $0x2000  }
0x15: {  	[sflag:s29] =	ssyncset.done $0x0  }
0x16: {  	[sflag:s29] =	ssyncadd.s32 $0xFFFFE000  }
0x17: {  	_ =	swait.ge [sflag:s29], $0x2000  }
0x18: {  	[sflag:s29] =	ssyncset.done $0x0  }
0x19: {  	[sflag:s29] =	ssyncadd.s32 $0xFFFFE000  }
0x1a: {  	_ =	swait.ge [sflag:s29], $0x2000  }
0x1b: {  	[sflag:s29] =	ssyncset.done $0x0  }
0x1c: {  	[sflag:s29] =	ssyncadd.s32 $0xFFFFE000  }
0x1d: {  	_ =	swait.ge [sflag:s29], $0x2000  }
0x1e: {  	[sflag:s29] =	ssyncset.done $0x0  }
0x1f: {  	[sflag:s29] =	ssyncadd.s32 $0xFFFFE000  }
0x20: {  	_ =	swait.ge [sflag:s29], $0x2000  }
0x21: {  	[sflag:s29] =	ssyncset.done $0x0  }
0x22: {  	[sflag:s29] =	ssyncadd.s32 $0xFFFFE000  }
0x23: {  	_ =	swait.ge [sflag:s29], $0x2000  }
0x24: {  	s30 =	sadd.s32 $0x1, s30;
	s0 =	rddreg [dreg:$0x4]  }
0x25: {  	p0 =	sne.s32 s30, s0  }
.Ltmp1:
0x26: {  	_ = 	snop;
	(pc) =	sbr.rel @!p0 .LBB2_5-.Ltmp1, $3  }
0x27: {  	_ =	sdelay $0x1  }
0x28: {  	[sflag:s29] =	ssyncset.done $0x0  }
0x29: {  	[sflag:s29] =	ssyncadd.s32 $0xFFFFE000  }
.LBB2_1:
0x2a: {  	s0 =	rddreg [dreg:$0x3]  }
0x2b: {  	[tilespmem:s3], [sflag:$0x3] =	stream.linear.gather [hbm4b:s0+s3], $0x6400, $0x38;
	[tilespmem:$0x1A400] =	vst v63  }
0x2c: {  	_ =	swait.ge [sflag:s13], $0x6400  }
0x2d: {  	[sflag:s13] =	ssyncset.done $0x0  }
0x2e: {  	[sflag:s13] =	ssyncadd.s32 $0xFFFF9C00  }
0x2f: {  	[tilespmem:s15], [sflag:$0x1] =	stream.indirect.gather [hbm4b:s4+s14], $0x40, s3, s14, $0xb8;
	[tilespmem:$0x1A400] =	vst v63  }
0x30: {  	_ = 	snop  }
0x31: {  	[tilespmem:s16], [sflag:$0x1] =	stream.indirect.gather [hbm4b:s4+s14], $0x40, s14, s14, $0xb8;
	[tilespmem:$0x1A400] =	vst v63  }
0x32: {  	s17 =	simm.s32 $0x100  }
0x33: {  	[tilespmem:s18], [sflag:$0x1] =	stream.indirect.gather [hbm4b:s4+s14], $0x40, s17, s14, $0xb8;
	[tilespmem:$0x1A400] =	vst v63  }
0x34: {  	s19 =	simm.s32 $0x180;
	s1 =	simm.s32 $0x0;
	s31 =	rddreg [dreg:$0x1]  }
0x35: {  	[tilespmem:s20], [sflag:$0x1] =	stream.indirect.gather [hbm4b:s4+s14], $0x40, s19, s14, $0xb8;
	[tilespmem:$0x1A400] =	vst v63  }
.LBB2_2:
0x36: {  	_ =	swait.ge [sflag:s21], $0x2000  }
0x37: {  	[sflag:s21] =	ssyncset.done $0x0  }
0x38: {  	[sflag:s21] =	ssyncadd.s32 $0xFFFFE000  }
0x39: {  	_ =	swait.ge [sflag:s21], $0x2000  }
0x3a: {  	[sflag:s21] =	ssyncset.done $0x0  }
0x3b: {  	s2 =	sadd.s32 s31, s8;
	p0 =	seq.s32 s1, $0x0;
	[sflag:s21] =	ssyncadd.s32 $0xFFFFE000  }
0x3c: {  	[hbm4b:s2+s3] =	stream.linear.scatter [tilespmem:s15], [sflag:$0x2], $0x2000, $0x38;
	[tilespmem:$0x1A400] =	vst v63  }
0x3d: {  	s0 =	sadd.s32 s31, s7;
	s17 =	simm.s32 @!p0 $0x2  }
0x3e: {  	[hbm4b:s0+s3] =	stream.linear.scatter [tilespmem:s16], [sflag:$0x2], $0x2000, $0x38;
	[tilespmem:$0x1A400] =	vst v63  }
0x3f: {  	_ =	swait.ge @!p0 [sflag:s17], $0x2000  }
0x40: {  	[sflag:s17] =	ssyncset.done @!p0 $0x0  }
0x41: {  	[sflag:s17] =	ssyncadd.s32 @!p0 $0xFFFFE000  }
0x42: {  	_ =	swait.ge @!p0 [sflag:s17], $0x2000  }
0x43: {  	s0 =	sshra.s32 s1, $0x2;
	[sflag:s17] =	ssyncset.done @!p0 $0x0  }
0x44: {  	s19 =	sadd.s32 $0x200, s0;
	[sflag:s17] =	ssyncadd.s32 @!p0 $0xFFFFE000  }
0x45: {  	[tilespmem:s22], [sflag:$0x1] =	stream.indirect.gather [hbm4b:s4+s14], $0x40, s19, s14, $0xb8;
	[tilespmem:$0x1A400] =	vst v63  }
0x46: {  	s5 =	sadd.s32 $0x280, s0  }
0x47: {  	[tilespmem:s23], [sflag:$0x1] =	stream.indirect.gather [hbm4b:s4+s14], $0x40, s5, s14, $0xb8;
	[tilespmem:$0x1A400] =	vst v63  }
0x48: {  	_ =	swait.ge [sflag:s21], $0x2000  }
0x49: {  	[sflag:s21] =	ssyncset.done $0x0  }
0x4a: {  	[sflag:s21] =	ssyncadd.s32 $0xFFFFE000  }
0x4b: {  	_ =	swait.ge [sflag:s21], $0x2000  }
0x4c: {  	[sflag:s21] =	ssyncset.done $0x0  }
0x4d: {  	s6 =	sadd.s32 s31, s11;
	[sflag:s21] =	ssyncadd.s32 $0xFFFFE000  }
0x4e: {  	[hbm4b:s6+s3] =	stream.linear.scatter [tilespmem:s18], [sflag:$0x2], $0x2000, $0x38;
	[tilespmem:$0x1A400] =	vst v63  }
0x4f: {  	s5 =	sadd.s32 $0xC00, s2  }
0x50: {  	[hbm4b:s5+s3] =	stream.linear.scatter [tilespmem:s20], [sflag:$0x2], $0x2000, $0x38;
	[tilespmem:$0x1A400] =	vst v63  }
0x51: {  	_ =	swait.ge @!p0 [sflag:s17], $0x2000  }
0x52: {  	[sflag:s17] =	ssyncset.done @!p0 $0x0  }
0x53: {  	[sflag:s17] =	ssyncadd.s32 @!p0 $0xFFFFE000  }
0x54: {  	_ =	swait.ge @!p0 [sflag:s17], $0x2000  }
0x55: {  	[sflag:s17] =	ssyncset.done @!p0 $0x0  }
0x56: {  	s6 =	sadd.s32 $0x300, s0;
	[sflag:s17] =	ssyncadd.s32 @!p0 $0xFFFFE000  }
0x57: {  	[tilespmem:s24], [sflag:$0x1] =	stream.indirect.gather [hbm4b:s4+s14], $0x40, s6, s14, $0xb8;
	[tilespmem:$0x1A400] =	vst v63  }
0x58: {  	s5 =	sadd.s32 $0x380, s0  }
0x59: {  	[tilespmem:s25], [sflag:$0x1] =	stream.indirect.gather [hbm4b:s4+s14], $0x40, s5, s14, $0xb8;
	[tilespmem:$0x1A400] =	vst v63  }
0x5a: {  	_ =	swait.ge [sflag:s21], $0x2000  }
0x5b: {  	[sflag:s21] =	ssyncset.done $0x0  }
0x5c: {  	[sflag:s21] =	ssyncadd.s32 $0xFFFFE000  }
0x5d: {  	_ =	swait.ge [sflag:s21], $0x2000  }
0x5e: {  	[sflag:s21] =	ssyncset.done $0x0  }
0x5f: {  	s6 =	sadd.s32 s31, s12;
	[sflag:s21] =	ssyncadd.s32 $0xFFFFE000  }
0x60: {  	[hbm4b:s6+s3] =	stream.linear.scatter [tilespmem:s22], [sflag:$0x2], $0x2000, $0x38;
	[tilespmem:$0x1A400] =	vst v63  }
0x61: {  	s5 =	sadd.s32 $0x1400, s2  }
0x62: {  	[hbm4b:s5+s3] =	stream.linear.scatter [tilespmem:s23], [sflag:$0x2], $0x2000, $0x38;
	[tilespmem:$0x1A400] =	vst v63  }
0x63: {  	_ =	swait.ge @!p0 [sflag:s17], $0x2000  }
0x64: {  	[sflag:s17] =	ssyncset.done @!p0 $0x0  }
0x65: {  	[sflag:s17] =	ssyncadd.s32 @!p0 $0xFFFFE000  }
0x66: {  	_ =	swait.ge @!p0 [sflag:s17], $0x2000  }
0x67: {  	[sflag:s17] =	ssyncset.done @!p0 $0x0  }
0x68: {  	s6 =	sadd.s32 $0x400, s0;
	[sflag:s17] =	ssyncadd.s32 @!p0 $0xFFFFE000  }
0x69: {  	[tilespmem:s26], [sflag:$0x1] =	stream.indirect.gather [hbm4b:s4+s14], $0x40, s6, s14, $0xb8;
	[tilespmem:$0x1A400] =	vst v63  }
0x6a: {  	s19 =	sadd.s32 $0x480, s0  }
0x6b: {  	[tilespmem:s28], [sflag:$0x1] =	stream.indirect.gather [hbm4b:s4+s14], $0x40, s19, s14, $0xb8;
	[tilespmem:$0x1A400] =	vst v63  }
0x6c: {  	_ =	swait.ge [sflag:s21], $0x2000  }
0x6d: {  	[sflag:s21] =	ssyncset.done $0x0  }
0x6e: {  	[sflag:s21] =	ssyncadd.s32 $0xFFFFE000  }
0x6f: {  	_ =	swait.ge [sflag:s21], $0x2000  }
0x70: {  	[sflag:s21] =	ssyncset.done $0x0  }
0x71: {  	s5 =	sadd.s32 s31, s10;
	[sflag:s21] =	ssyncadd.s32 $0xFFFFE000  }
0x72: {  	[hbm4b:s5+s3] =	stream.linear.scatter [tilespmem:s24], [sflag:$0x2], $0x2000, $0x38;
	[tilespmem:$0x1A400] =	vst v63  }
0x73: {  	s6 =	sadd.s32 $0x1C00, s2  }
0x74: {  	[hbm4b:s6+s3] =	stream.linear.scatter [tilespmem:s25], [sflag:$0x2], $0x2000, $0x38;
	[tilespmem:$0x1A400] =	vst v63  }
0x75: {  	_ =	swait.ge [sflag:s29], $0x2000  }
0x76: {  	[sflag:s29] =	ssyncset.done $0x0  }
0x77: {  	p0 =	seq.s32 s1, $0x17C00;
	[sflag:s29] =	ssyncadd.s32 $0xFFFFE000  }
0x78: {  	s17 =	sshra.s32 @!p0 s1, $0x2;
	_ =	swait.ge [sflag:s29], $0x2000  }
0x79: {  	s19 =	sadd.s32 @!p0 $0x500, s17;
	[sflag:s29] =	ssyncset.done $0x0  }
0x7a: {  	s5 =	simm.s32 @!p0 $0x80;
	s6 =	simm.s32 @!p0 $0x6400;
	[sflag:s29] =	ssyncadd.s32 $0xFFFFE000  }
0x7b: {  	[tilespmem:s6], [sflag:$0x1] =	stream.indirect.gather @!p0 [hbm4b:s4+s5], $0x40, s19, s5, $0xb8;
	[tilespmem:$0x1A400] =	vst v63  }
0x7c: {  	s6 =	sadd.s32 @!p0 $0x580, s17;
	s17 =	simm.s32 @!p0 $0x8400  }
0x7d: {  	[tilespmem:s17], [sflag:$0x1] =	stream.indirect.gather @!p0 [hbm4b:s4+s5], $0x40, s6, s5, $0xb8;
	[tilespmem:$0x1A400] =	vst v63  }
0x7e: {  	_ =	swait.ge [sflag:s21], $0x2000  }
0x7f: {  	[sflag:s21] =	ssyncset.done $0x0  }
0x80: {  	[sflag:s21] =	ssyncadd.s32 $0xFFFFE000  }
0x81: {  	_ =	swait.ge [sflag:s21], $0x2000  }
0x82: {  	[sflag:s21] =	ssyncset.done $0x0  }
0x83: {  	s19 =	sadd.s32 s31, s9;
	[sflag:s21] =	ssyncadd.s32 $0xFFFFE000  }
0x84: {  	[hbm4b:s19+s3] =	stream.linear.scatter [tilespmem:s26], [sflag:$0x2], $0x2000, $0x38;
	[tilespmem:$0x1A400] =	vst v63  }
0x85: {  	s2 =	sadd.s32 $0x2400, s2  }
0x86: {  	[hbm4b:s2+s3] =	stream.linear.scatter [tilespmem:s28], [sflag:$0x2], $0x2000, $0x38;
	[tilespmem:$0x1A400] =	vst v63  }
0x87: {  	_ =	swait.ge [sflag:s29], $0x2000  }
.Ltmp2:
0x88: {  	[sflag:s29] =	ssyncset.done $0x0;
	(pc) =	sbr.rel @p0 .LBB2_4-.Ltmp2, $4  }
0x89: {  	[sflag:s29] =	ssyncadd.s32 $0xFFFFE000  }
0x8a: {  	_ =	swait.ge [sflag:s29], $0x2000  }
0x8b: {  	[sflag:s29] =	ssyncset.done $0x0  }
0x8c: {  	[sflag:s29] =	ssyncadd.s32 $0xFFFFE000  }
.Ltmp3:
0x8d: {  	(pc) =	sbr.rel .LBB2_2-.Ltmp3, $4  }
0x8e: {  	s2 =	sadd.s32 $0x600, s0  }
0x8f: {  	[tilespmem:s18], [sflag:$0x1] =	stream.indirect.gather [hbm4b:s4+s14], $0x40, s2, s14, $0xb8;
	[tilespmem:$0x1A400] =	vst v63  }
0x90: {  	s19 =	sadd.s32 $0x680, s0;
	s1 =	sadd.s32 $0x1400, s1;
	s31 =	sadd.s32 $0x2800, s31  }
0x91: {  	[tilespmem:s20], [sflag:$0x1] =	stream.indirect.gather [hbm4b:s4+s14], $0x40, s19, s14, $0xb8;
	[tilespmem:$0x1A400] =	vst v63  }
.LBB2_5:
0x92: {  	_ =	sfence.sel $0x180000  }
0x93: {  	[bflag:$0x0] =	sbarrier.arrive $0xFFFF  }
0x94: {  	_ =	strace $0x90000047  }
0x95: {  	s0 =	stileid.u32;
	[bflag:$0x2] =	sbarrier.arrive $0xFFFF  }
0x96: {  	p0 =	sne.s32 s0, $0x0;
	s0 =	rddreg [dreg:$0x2]  }
0x97: {  	s0 =	sadd.s32 @!p0 $0x100000, s0  }
0x98: {  	[sflag:s0] =	ssyncadd.tile.s32 @!p0 $0x1;
	_ =	shalt  }
.Lfunc_end2:
_tile_overlayer_lowered:
.L_overlay_start_2:
0x99: {  	(tag) =	ssettag $0x2  }
0x9a: {  	s0 =	rddreg [dreg:$0x0];
	s2 =	stileid.u32  }
0x9b: {  	s1 =	rddreg [dreg:$0x1];
	p0 =	sne.s32 s2, $0x0  }
0x9c: {  	s3 =	rddreg [dreg:$0x2];
	[bflag:$0x3] =	sbarrier.arrive $0xFFFF;
	s2 =	simm.s32 @!p0 $0x1C03  }
0x9d: {  	[timem:s3], [sflag:s2] =	dma.local @!p0 [hbm:s0], s1  }
0x9e: {  	s0 =	simm.s32 @!p0 $0x3  }
0x9f: {  	_ =	swait.ge @!p0 [sflag:s0], s1  }
0xa0: {  	s1 =	ssub.s32 @!p0 $0x0, s1;
	[sflag:s0] =	ssyncset.done @!p0 $0x0  }
0xa1: {  	[sflag:s0] =	ssyncadd.s32 @!p0 s1  }
0xa2: {  	[bflag:$0x3] =	sbarrier.arrive $0xFFFF  }
0xa3: {  	_ =	shalt  }

// kernel: sparse-core-data-format-call.cloned.1.call-start
scs
called_computation_lowered:
.L_overlay_start_0:
0x0: {  	s2 =	sld [smem:$0x3FD9]  }
0x1: {  	s3 =	sld [smem:$0x3FFE];
	_ =	sdelay $0x1  }
0x2: {  	s1 =	srdreg.scid  }
0x3: {  	s0 =	sand.u32 $0x1, s1  }
0x4: {  	s18 =	sshll.u32 s0, $0xA;
	s2 =	sadd.s32 s3, s2  }
0x5: {  	s2 =	sadd.s32 s2, s18  }
0x6: {  	[smem:$0x3FC6] =	sst s2  }
0x7: {  	_ = 	snop  }
0x8: {  	s2 =	sld [smem:$0x3FD0];
	(tm) =	ssettm $0x1  }
0x9: {  	s19 =	sld [smem:$0x3FFB];
	_ =	sdelay $0x3  }
0xa: {  	_ =	strace s19  }
0xb: {  	s3 =	sld [smem:$0x3FFC];
	_ =	sdelay $0x3  }
0xc: {  	_ =	strace s3  }
0xd: {  	s3 =	sld [smem:$0x3FFD];
	_ =	sdelay $0x3  }
0xe: {  	_ =	strace s3  }
0xf: {  	_ =	strace $0x8FFFFFFF  }
0x10: {  	s20 =	sld [smem:$0x3FDB];
	_ =	sdelay $0x1  }
0x11: {  	s4 =	simm.s32 $_scs_section_size  }
0x12: {  	s5 =	simm.s32 $_size__tile_overlayer_lowered;
	s6 =	simm.s32 $_tile_overlayer_lowered  }
0x13: {  	s23 =	simm.s32 $0x1BFF;
	s22 =	sshll.u32 s6, $0x1;
	s3 =	sadd.s32 s4, s20  }
0x14: {  	s7 =	simm.s32 $0x0;
	s21 =	sshll.u32 s5, $0x1;
	s5 =	sadd.s32 s22, s3  }
0x15: {  	[timem:s7], [sflag:s23] =	dma.local [hbm:s5], s21  }
0x16: {  	_ =	swait.ge [sflag:s23], s21  }
0x17: {  	s4 =	ssub.s32 $0x0, s21;
	[sflag:s23] =	ssyncset.done $0x0  }
0x18: {  	[sflag:s23] =	ssyncadd.s32 s4;
	_ =	sdelay $0x1  }
0x19: {  	s24 =	simm.s32 $0x1B8B  }
0x1a: {  	_ =	swait.ge [sflag:s24], $0x1  }
0x1b: {  	[sflag:s24] =	ssyncset.done $0x0  }
0x1c: {  	s26 =	simm.s32 $0x1B8E;
	s25 =	sld [smem:$0x3FFE];
	[sflag:s24] =	ssyncadd.s32 $0xFFFFFFFF  }
0x1d: {  	s27 =	simm.s32 $execute0_lowered;
	[smem:$0x3FD2] =	sst s26  }
0x1e: {  	s5 =	sshll.u32 s27, $0x1;
	_ =	strace $0x80000049;
	[dreg:$0x1] =	wrdreg $0xFFFFFFFF  }
0x1f: {  	s28 =	simm.s32 $_size_execute0_lowered;
	s3 =	sadd.s32 s3, s5;
	[dreg:$0x0] =	wrdreg $0x0  }
0x20: {  	s5 =	sshll.u32 s28, $0x1;
	[dreg:$0x2] =	wrdreg s3  }
0x21: {  	[dreg:$0x3] =	wrdreg s5  }
0x22: {  	[dreg:$0x4] =	wrdreg $0xC0  }
0x23: {  	_ =	task [dreg:s7], $0x5FFFF  }
0x24: {  	[dreg:$0x1] =	wrdreg $0xFFFFFFFF  }
0x25: {  	[dreg:$0x0] =	wrdreg $0x60  }
0x26: {  	[dreg:$0x2] =	wrdreg s25  }
0x27: {  	[dreg:$0x3] =	wrdreg s2  }
0x28: {  	[dreg:$0x4] =	wrdreg $0x9  }
0x29: {  	_ =	task.clear_ibuf [dreg:s7], $0x5FFFF;
	_ =	strace $0x90000049  }
0x2a: {  	s29 =	simm.s32 $0x9;
	_ =	strace $0x8000004B  }
0x2b: {  	_ =	swait.ge [sflag:s29], $0x1  }
0x2c: {  	[sflag:s29] =	ssyncadd.s32 $0xFFFFFFFF  }
0x2d: {  	_ =	strace $0x9000004B  }
0x2e: {  	_ =	sfence  }
0x2f: {  	s30 =	sld [smem:$0x0];
	_ =	sdelay $0x2  }
0x30: {  	s31 =	sshll.u32 s1, $0xD;
	s1 =	sshrl.u32 s1, $0x2  }
0x31: {  	s3 =	sand.u32 $0x4000, s31;
	s1 =	sadd.s32 s1, s30  }
0x32: {  	s0 =	sor.u32 s3, s0;
	s1 =	sshll.u32 s1, $0x11  }
0x33: {  	s0 =	sor.u32 s1, s0  }
0x34: {  	s0 =	sadd.s32 $0x8F2B, s0  }
0x35: {  	[sflag:s0] =	ssyncadd.remote.s32 $0x1  }
0x36: {  	_ =	sfence.sel $0xFFFF  }
0x37: {  	[dreg:$0x0] =	wrdreg $0xFFFFFFFF;
	(pc) =	sbr.abs _section_cstart, $3  }
0x38: {  	[dreg:$0x1] =	wrdreg $0xFFFFFFFF  }
0x39: {  	_ =	task.clear_ibuf [dreg:s7], $0x2FFFF;
	_ =	strace $0x9FFFFFFF  }
0x3a: {  	(tm) =	ssettm $0x7FFFFFFF  }
0x3b: {  	_ =	shalt  }
tec
execute0_lowered:
.L_overlay_start_1:
0x0: {  	(tag) =	ssettag $0x1  }
0x1: {  	s0 =	srdreg.scid  }
0x2: {  	s1 =	sshll.u32 s0, $0x4  }
0x3: {  	s0 =	stileid.u32;
	s1 =	sand.u32 $0x10, s1  }
0x4: {  	s1 =	sor.u32 s0, s1  }
0x5: {  	s6 =	rddreg [dreg:$0x0];
	s4 =	simm.s32 $0x1;
	s2 =	sshll.u32 s1, $0x7  }
0x6: {  	s7 =	simm.s32 $0x2;
	s12 =	simm.s32 $0x0;
	s1 =	ssub.s32 $0x1000, s2  }
0x7: {  	s8 =	simm.s32 $0x8000;
	s13 =	simm.s32 $0x0;
	s3 =	sand.u32 $0xF80, s1  }
0x8: {  	s9 =	simm.s32 $0x0;
	s5 =	sshrl.u32 s1, $0xC;
	p0 =	sne.s32 s3, $0x0  }
.Ltmp0:
0x9: {  	s1 =	rddreg [dreg:$0x2];
	s4 =	simm.s32 @!p0 $0x0;
	(pc) =	sbr.rel .LBB1_1-.Ltmp0, $4  }
0xa: {  	s11 =	simm.s32 $0x0;
	s3 =	rddreg [dreg:$0x1];
	s5 =	sadd.s32 s4, s5  }
0xb: {  	_ =	strace $0x8000004A;
	s4 =	simm.s32 $0x1;
	s5 =	smul.u32 $0xC8, s5  }
0xc: {  	s6 =	sadd.s32 $0xA00, s6;
	s10 =	smov.u32 s2;
	[sflag:s4] =	ssyncpa.u1 $0x0  }
0xd: {  	p0 =	por $0x0, $0x0;
	[sflag:s7] =	ssyncpa.u1 $0x0;
	s7 =	sor.u32 $0x1, s5  }
.LBB1_4:
0xe: {  	s16 =	sshll.u32 s13, $0x3;
	s17 =	sand.u32 $0x78, s13  }
0xf: {  	s30 =	sand.u32 $0x7E00, s13;
	s12 =	sshll.u32 s12, $0xF;
	s16 =	sand.u32 $0xC00, s16  }
0x10: {  	[tilespmem:s15+$0x810 ss:$0x81] =	vst.msk $0xffff, v2;
	s31 =	sand.u32 $0x7, s13;
	s16 =	sor.u32 s17, s16;
	s17 =	sadd.s32 s3, s30  }
0x11: {  	[tilespmem:s15+$0x1020 ss:$0x81] =	vst.msk $0xffff, v0;
	s13 =	sshll.u32 s31, $0x12;
	s12 =	sadd.s32 s12, s17;
	s16 =	sshrl.u32 s16, $0x3  }
0x12: {  	[tilespmem:s15+$0x0 ss:$0x81] =	vst.msk $0xffff, v1;
	s13 =	sor.u32 $0x400, s13;
	s12 =	sadd.s32 s16, s12  }
0x13: {  	[hbm4b:s12+s13] =	stream.strided.scatter [tilespmem:s14], [sflag:$0x2], $0x2000, s8, s13, $0x20;
	[tilespmem:$0x8080] =	vst v63  }
.LBB1_5:
0x14: {  	s14 =	sadd.s32 $0x1, s9  }
0x15: {  	s12 =	sadd.s32 $0x1000, s10;
	s16 =	smov.u32 s10;
	p2 =	sgt.s32 s14, $0xC7  }
0x16: {  	s16 =	smov.u32 @p2 s12  }
0x17: {  	s14 =	simm.s32 @p2 $0x0;
	p2 =	sgt.s32 s16, $0xFFF  }
0x18: {  	s16 =	smov.u32 @p2 s2;
	p2 =	sne.s32 s11, s7  }
.Ltmp1:
0x19: {  	p1 =	slt.u32 s11, $0x2;
	(pc) =	sbr.rel @!p2 .LBB1_6-.Ltmp1, $4  }
0x1a: {  	s15 =	simm.s32 @!p1 $0x2  }
0x1b: {  	s13 =	smov.u32 s10;
	p0 =	por !p0, !p0;
	_ =	swait.ge @!p1 [sflag:s15], $0x2000  }
0x1c: {  	s12 =	smov.u32 s9;
	[sflag:s15] =	ssyncset.done @!p1 $0x0;
	s9 =	smov.u32 s14  }
0x1d: {  	s11 =	sadd.s32 $0x1, s11;
	[sflag:s15] =	ssyncadd.s32 @!p1 $0xFFFFE000;
	s10 =	smov.u32 s16  }
.LBB1_1:
0x1e: {  	p1 =	sge.u32 s11, s5  }
0x1f: {  	s14 =	sand.u32 @!p1 $0x1FFFFFF, s9  }
0x20: {  	s15 =	smulhi.u32 @!p1 $0x147AE15, s14;
	_ =	sdelay $0x1  }
0x21: {  	s15 =	smul.u32 @!p1 $0xC8, s15  }
0x22: {  	s16 =	sxor.u32 @!p1 $0xFFFFFFFF, s11;
	s17 =	smul.u32 @!p1 $0xC80, s10  }
0x23: {  	s31 =	sadd.s32 $0xFFFFFFFF, s11;
	s16 =	sshll.u32 @!p1 s16, $0xD;
	s14 =	ssub.s32 @!p1 s14, s15  }
0x24: {  	s15 =	sand.u32 @!p1 $0x2000, s16;
	s16 =	sadd.s32 @!p1 s6, s17;
	s14 =	sshll.u32 @!p1 s14, $0x4  }
0x25: {  	s17 =	simm.s32 @!p1 $0x6400;
	s14 =	sadd.s32 @!p1 s14, s16;
	s16 =	simm.s32 @!p1 $0x40  }
0x26: {  	[tilespmem:s15], [sflag:$0x1] =	stream.strided.gather @!p1 [hbm4b:s14+s16], $0x2000, s17, s16, $0x38;
	[tilespmem:$0x8080] =	vst v63  }
0x27: {  	p1 =	sge.u32 s31, s5  }
.Ltmp2:
0x28: {  	_ = 	snop;
	(pc) =	sbr.rel @p1 .LBB1_5-.Ltmp2, $1  }
0x29: {  	_ =	sdelay $0x3  }
0x2a: {  	s14 =	simm.s32 $0x1  }
0x2b: {  	_ =	swait.ge [sflag:s4], $0x2000;
	s14 =	simm.s32 @!p0 $0x0  }
0x2c: {  	[sflag:s4] =	ssyncset.done $0x0;
	s15 =	sshll.u32 s14, $0xD  }
0x2d: {  	[sflag:s4] =	ssyncadd.s32 $0xFFFFE000;
	s18 =	sor.u32 $0x20, s15  }
0x2e: {  	s14 =	smul.u32 $0x8100, s14;
	v3 =	vld [tilespmem:s18+$0x10]  }
0x2f: {  	s30 =	sand.u32 $0x1, s11;
	v2 =	vld [tilespmem:s18+$0xFFFFFFF0]  }
0x30: {  	s15 =	smul.u32 $0x8100, s30;
	s14 =	sshrl.u32 s14, $0x2;
	v0 =	vld [tilespmem:s18+$0x0]  }
0x31: {  	v1 =	vld [tilespmem:s18+$0xFFFFFFE0];
	s16 =	sor.u32 $0x4000, s14  }
0x32: {  	s31 =	sshrl.u32 s15, $0x2;
	s15 =	sadd.s32 $0x0, s16  }
0x33: {  	s17 =	simm.s32 $0x4;
	s18 =	sadd.s32 $0x40, s18;
	s14 =	sor.u32 $0x4000, s31;
	[tilespmem:s15+$0x1830 ss:$0x81] =	vst.msk $0xffff, v3  }
.LBB1_3:
0x34: {  	v3 =	vld [tilespmem:s18+$0x10];
	p1 =	sne.s32 s17, $0x1FC;
	[tilespmem:s15+$0x810 ss:$0x81] =	vst.msk $0xffff, v2;
	s19 =	smov.u32 s17;
	s17 =	sadd.s32 $0x4, s17  }
.Ltmp3:
0x35: {  	v2 =	vld [tilespmem:s18+$0xFFFFFFF0];
	[tilespmem:s15+$0x1020 ss:$0x81] =	vst.msk $0xffff, v0;
	(pc) =	sbr.rel @p1 .LBB1_3-.Ltmp3, $4  }
0x36: {  	v0 =	vld [tilespmem:s18+$0x0];
	[tilespmem:s15+$0x0 ss:$0x81] =	vst.msk $0xffff, v1  }
0x37: {  	s15 =	sshra.s32 s19, $0x2;
	v1 =	vld [tilespmem:s18+$0xFFFFFFE0]  }
0x38: {  	s15 =	sadd.s32 s15, s16  }
0x39: {  	s18 =	sadd.s32 $0x40, s18;
	[tilespmem:s15+$0x1830 ss:$0x81] =	vst.msk $0xffff, v3  }
.Ltmp4:
0x3a: {  	_ = 	snop;
	(pc) =	sbr.rel .LBB1_4-.Ltmp4, $1  }
0x3b: {  	_ =	sdelay $0x3  }
.LBB1_6:
0x3c: {  	_ =	sfence.sel $0x180000  }
0x3d: {  	s2 =	simm.s32 $0x1;
	[bflag:$0x0] =	sbarrier.arrive $0xFFFF  }
0x3e: {  	s31 =	simm.s32 $0x2;
	[sflag:s2] =	ssyncpa.u1 $0x1  }
0x3f: {  	[sflag:s31] =	ssyncpa.u1 $0x1  }
0x40: {  	p0 =	sne.s32 s0, $0x0;
	_ =	strace $0x9000004A  }
0x41: {  	s0 =	sadd.s32 @!p0 $0x100000, s1;
	[bflag:$0x2] =	sbarrier.arrive $0xFFFF  }
0x42: {  	[sflag:s0] =	ssyncadd.tile.s32 @!p0 $0x1;
	_ =	shalt  }
.Lfunc_end1:
_tile_overlayer_lowered:
.L_overlay_start_2:
0x43: {  	(tag) =	ssettag $0x2  }
0x44: {  	s0 =	rddreg [dreg:$0x0];
	s2 =	stileid.u32  }
0x45: {  	s1 =	rddreg [dreg:$0x1];
	p0 =	sne.s32 s2, $0x0  }
0x46: {  	s3 =	rddreg [dreg:$0x2];
	[bflag:$0x3] =	sbarrier.arrive $0xFFFF;
	s2 =	simm.s32 @!p0 $0x1C01  }
0x47: {  	[timem:s3], [sflag:s2] =	dma.local @!p0 [hbm:s0], s1  }
0x48: {  	s0 =	simm.s32 @!p0 $0x1  }
0x49: {  	_ =	swait.ge @!p0 [sflag:s0], s1  }
0x4a: {  	s1 =	ssub.s32 @!p0 $0x0, s1;
	[sflag:s0] =	ssyncset.done @!p0 $0x0  }
0x4b: {  	[sflag:s0] =	ssyncadd.s32 @!p0 s1  }
0x4c: {  	[bflag:$0x3] =	sbarrier.arrive $0xFFFF  }
0x4d: {  	_ =	shalt  }

</sc_bundles>
